<compile_context>
chip_gen: v7x
topology: tpu7x:2x2x1
jax: 0.10.2.dev20260603
libtpu: 0.0.44.dev20260713+nightly
codegen_flags: <defaults>
</compile_context>

<pallas_src>
import functools

import jax
import jax.numpy as jnp
from jax import lax
from jax.experimental import pallas as pl
from jax.experimental.pallas import tpu as pltpu
from jax.experimental.pallas import tpu_sc as plsc

_NC = 2
_NS = 16
_NW = _NC * _NS

_LT = 128
_ST = 8
_BT_PER_CHUNK = 2


@functools.lru_cache(maxsize=None)
def _make_gather(V, D, B, H):
    bpw = B // _NW
    nbt = bpw // _LT
    cbt = _BT_PER_CHUNK
    crows = cbt * _LT
    nhalf = nbt // cbt
    nchunk = H * nhalf
    nd = D // _ST

    mesh = plsc.VectorSubcoreMesh(core_axis_name="c", subcore_axis_name="s")

    @functools.partial(
        pl.kernel,
        out_type=jax.ShapeDtypeStruct((H, nd, B // _LT, _ST, _LT), jnp.float32),
        mesh=mesh,
        compiler_params=pltpu.CompilerParams(
            use_tc_tiling_on_sc=False, needs_layout_passes=False),
        scratch_types=[
            pltpu.VMEM((H, bpw), jnp.int32),
            pltpu.VMEM((crows, D), jnp.float32),
            pltpu.VMEM((crows, D), jnp.float32),
            pltpu.VMEM((nd, cbt, _ST, _LT), jnp.float32),
            pltpu.VMEM((nd, cbt, _ST, _LT), jnp.float32),
            pltpu.SemaphoreType.DMA,
            pltpu.SemaphoreType.DMA,
            pltpu.SemaphoreType.DMA,
            pltpu.SemaphoreType.DMA,
        ],
    )
    def gather(table_hbm, idxt_hbm, out_hbm, idx_v, gbuf_a, gbuf_b,
               sbuf_a, sbuf_b, gsem_a, gsem_b, osem_a, osem_b):
        wid = lax.axis_index("s") * _NC + lax.axis_index("c")
        b_base = wid * bpw

        pltpu.sync_copy(idxt_hbm.at[:, pl.ds(b_base, bpw)], idx_v)

        def fire_g(c, gbuf, sem):
            h = c // nhalf
            half = c % nhalf
            for j in range(cbt):
                pltpu.async_copy(
                    table_hbm.at[idx_v.at[h, pl.ds(half * crows + j * _LT, _LT)]],
                    gbuf.at[pl.ds(j * _LT, _LT)],
                    sem,
                )

        def drain_g(gbuf, sem):
            for j in range(cbt):
                pltpu.make_async_copy(
                    table_hbm.at[idx_v.at[0, pl.ds(0, _LT)]],
                    gbuf.at[pl.ds(j * _LT, _LT)],
                    sem,
                ).wait()

        lanes = lax.broadcasted_iota(jnp.int32, (16,), 0)
        rows_tab = [lanes + (t * _LT + g * 16)
                    for t in range(cbt) for g in range(_LT // 16)]
        tvs = [jnp.full((16,), t, jnp.int32) for t in range(cbt)]

        def shuffle(gbuf, sbuf):
            def body(s, carry):
                rot = (lanes + s) & 15
                for d0 in range(0, D, 16):
                    cols = rot + d0
                    dtv = cols >> 3
                    dsv = cols & 7
                    vals = [
                        plsc.load_gather(gbuf, [rows_tab[k], cols])
                        for k in range(cbt * (_LT // 16))
                    ]
                    for t in range(cbt):
                        for g in range(_LT // 16):
                            plsc.store_scatter(
                                sbuf, [dtv, tvs[t], dsv, rows_tab[g]],
                                vals[t * (_LT // 16) + g])
                return carry
            lax.fori_loop(0, 16, body, 0)

        def dst(c):
            h = c // nhalf
            half = c % nhalf
            bt0 = wid * nbt + half * cbt
            return out_hbm.at[h, :, pl.ds(bt0, cbt)]

        def fire_s(c, sbuf, sem):
            pltpu.async_copy(sbuf, dst(c), sem)

        def drain_s(c, sbuf, sem):
            pltpu.make_async_copy(sbuf, dst(c), sem).wait()

        fire_g(0, gbuf_a, gsem_a)
        fire_g(1, gbuf_b, gsem_b)

        def half_step(k, i, gbuf, sbuf, gsem, osem):
            @pl.when(k > 0)
            def _():
                drain_s(i - 2, sbuf, osem)

            drain_g(gbuf, gsem)
            shuffle(gbuf, sbuf)
            fire_s(i, sbuf, osem)

            @pl.when(i < nchunk - 2)
            def _():
                fire_g(i + 2, gbuf, gsem)

        def body(k, carry):
            i = 2 * k
            half_step(k, i, gbuf_a, sbuf_a, gsem_a, osem_a)
            half_step(k, i + 1, gbuf_b, sbuf_b, gsem_b, osem_b)
            return carry

        lax.fori_loop(0, nchunk // 2, body, 0)
        drain_s(nchunk - 2, sbuf_a, osem_a)
        drain_s(nchunk - 1, sbuf_b, osem_b)

    return gather


def _scale_body(emb_ref, idf_ref, out_ref):
    out_ref[...] = emb_ref[...] * idf_ref[...]


def kernel(inputs, embeddings, idf):
    B, H = inputs.shape
    V, D = embeddings.shape

    scaled = pl.pallas_call(
        _scale_body,
        out_shape=jax.ShapeDtypeStruct((V, D), jnp.float32),
    )(embeddings, idf)

    idx_t = inputs.T
    out5 = _make_gather(V, D, B, H)(scaled, idx_t)
    return out5.transpose(2, 4, 0, 1, 3).reshape(B, H, D)

# --- scband reference (transcript-rebuilt; emitter-appended) ---
"""Pipeline reference for scband-idf-embedding-15341623181362 (READ-ONLY COPY).

The authoritative reference and input builder live on the scoring server;
editing this copy changes nothing except your own understanding.
"""

import jax, jax.numpy as jnp
import numpy as np

INPUT_DIM = 1000
OUTPUT_DIM = 64
BATCH = 16384
HIST = 50

def setup_inputs(seed: int = 0):
    key = jax.random.key(seed)
    k1, k2 = jax.random.split(key)
    inputs = jax.random.randint(k1, (BATCH, HIST), 0, INPUT_DIM, dtype=jnp.int32)
    # learned embedding table, keras 'uniform' initializer default range [-0.05, 0.05]
    embeddings = jax.random.uniform(k2, (INPUT_DIM, OUTPUT_DIM), minval=-0.05, maxval=0.05, dtype=jnp.float32)
    # idf constant buffer (matches init_kwargs: vector of ones), shape [input_dim, 1]
    idf = jnp.ones((INPUT_DIM, 1), dtype=jnp.float32)
    return {"inputs": inputs, "embeddings": embeddings, "idf": idf}

def reference(inputs, embeddings, idf):
    # out = embedding_lookup(embeddings, inputs)
    out = jnp.take(embeddings, inputs, axis=0)
    # idfs = embedding_lookup(idf, inputs) -> shape [B, L, 1]
    idfs = jnp.take(idf, inputs, axis=0)
    return out * idfs

if __name__ == "__main__":
    import jax
    _d = setup_inputs()
    print(jax.jit(kernel)(*tuple(_d.values())))

</pallas_src>

<mosaic_0001>
#map = affine_map<(d0, d1) -> (0, 0)>
#map1 = affine_map<(d0, d1) -> (0, 0, 0, 0, 0)>
module attributes {stable_mosaic.version = 14 : i64} {
  func.func @gather(%arg0: i32, %arg1: i32, %arg2: memref<1000x64xf32, #tpu.memory_space<hbm>>, %arg3: memref<50x16384xi32, #tpu.memory_space<hbm>>, %arg4: memref<50x8x128x8x128xf32, #tpu.memory_space<hbm>>, %arg5: memref<50x512xi32, #tpu.memory_space<vmem>>, %arg6: memref<256x64xf32, #tpu.memory_space<vmem>>, %arg7: memref<256x64xf32, #tpu.memory_space<vmem>>, %arg8: memref<8x2x8x128xf32, #tpu.memory_space<vmem>>, %arg9: memref<8x2x8x128xf32, #tpu.memory_space<vmem>>, %arg10: memref<!tpu.dma_semaphore, #tpu.memory_space<semaphore_mem>>, %arg11: memref<!tpu.dma_semaphore, #tpu.memory_space<semaphore_mem>>, %arg12: memref<!tpu.dma_semaphore, #tpu.memory_space<semaphore_mem>>, %arg13: memref<!tpu.dma_semaphore, #tpu.memory_space<semaphore_mem>>) attributes {dimension_semantics = [#tpu.dimension_semantics<core_parallel>, #tpu.dimension_semantics<subcore_parallel>], iteration_bounds = array<i64: 2, 16>, scalar_prefetch = 0 : i64, scratch_operands = 9 : i64, tpu.core_type = #tpu.core_type<sc_vector_subcore>, window_params = [{transform_indices = #map}, {transform_indices = #map}, {transform_indices = #map1}]} {
    %mul3A = arith.constant 2 : i32
    %mul3A_0 = arith.muli %arg1, %mul3A : i32
    %add3A = arith.addi %mul3A_0, %arg0 : i32
    %mul3A_1 = arith.constant 512 : i32
    %mul3A_2 = arith.muli %add3A, %mul3A_1 : i32
    "tpu.region"() ({
      %run_scoped3A = tpu.sem_alloc : memref<!tpu.dma_semaphore, #tpu.memory_space<semaphore_mem>>
      %dma_start3A_127 = arith.constant 0 : i32
      %dma_start3A_128 = tpu.memref_slice %arg3[%dma_start3A_127, %mul3A_2] : memref<50x16384xi32, #tpu.memory_space<hbm>> -> memref<50x512xi32, #tpu.memory_space<hbm>>
      %dma_start3A_129 = arith.constant 0 : i32
      %dma_start3A_130 = tpu.memref_slice %arg3[%dma_start3A_129, %mul3A_2] : memref<50x16384xi32, #tpu.memory_space<hbm>> -> memref<50x512xi32, #tpu.memory_space<hbm>>
      tpu.enqueue_dma source(%dma_start3A_130 : memref<50x512xi32, #tpu.memory_space<hbm>>) target(%arg5 : memref<50x512xi32, #tpu.memory_space<vmem>>) target_semaphore(%run_scoped3A : memref<!tpu.dma_semaphore, #tpu.memory_space<semaphore_mem>>)
      %dma_wait3A_131 = arith.constant 0 : i32
      %dma_wait3A_132 = tpu.memref_slice %arg3[%dma_wait3A_131, %mul3A_2] : memref<50x16384xi32, #tpu.memory_space<hbm>> -> memref<50x512xi32, #tpu.memory_space<hbm>>
      %dma_wait3A_133 = arith.constant 0 : i32
      %dma_wait3A_134 = tpu.memref_slice %arg3[%dma_wait3A_133, %mul3A_2] : memref<50x16384xi32, #tpu.memory_space<hbm>> -> memref<50x512xi32, #tpu.memory_space<hbm>>
      tpu.wait_dma2 semaphore(%run_scoped3A : memref<!tpu.dma_semaphore, #tpu.memory_space<semaphore_mem>>) src(%dma_wait3A_134 : memref<50x512xi32, #tpu.memory_space<hbm>>) dst(%arg5 : memref<50x512xi32, #tpu.memory_space<vmem>>)
      tpu.yield
    }) : () -> ()
    %iota3A = tpu.iota {dimensions = array<i32: 0>} : vector<16xi32>
    %add3A_3 = arith.constant 0 : i32
    %add3A_4 = vector.broadcast %add3A_3 : i32 to vector<16xi32>
    %add3A_5 = arith.addi %iota3A, %add3A_4 : vector<16xi32>
    %add3A_6 = arith.constant 16 : i32
    %add3A_7 = vector.broadcast %add3A_6 : i32 to vector<16xi32>
    %add3A_8 = arith.addi %iota3A, %add3A_7 : vector<16xi32>
    %add3A_9 = arith.constant 32 : i32
    %add3A_10 = vector.broadcast %add3A_9 : i32 to vector<16xi32>
    %add3A_11 = arith.addi %iota3A, %add3A_10 : vector<16xi32>
    %add3A_12 = arith.constant 48 : i32
    %add3A_13 = vector.broadcast %add3A_12 : i32 to vector<16xi32>
    %add3A_14 = arith.addi %iota3A, %add3A_13 : vector<16xi32>
    %add3A_15 = arith.constant 64 : i32
    %add3A_16 = vector.broadcast %add3A_15 : i32 to vector<16xi32>
    %add3A_17 = arith.addi %iota3A, %add3A_16 : vector<16xi32>
    %add3A_18 = arith.constant 80 : i32
    %add3A_19 = vector.broadcast %add3A_18 : i32 to vector<16xi32>
    %add3A_20 = arith.addi %iota3A, %add3A_19 : vector<16xi32>
    %add3A_21 = arith.constant 96 : i32
    %add3A_22 = vector.broadcast %add3A_21 : i32 to vector<16xi32>
    %add3A_23 = arith.addi %iota3A, %add3A_22 : vector<16xi32>
    %add3A_24 = arith.constant 112 : i32
    %add3A_25 = vector.broadcast %add3A_24 : i32 to vector<16xi32>
    %add3A_26 = arith.addi %iota3A, %add3A_25 : vector<16xi32>
    %add3A_27 = arith.constant 128 : i32
    %add3A_28 = vector.broadcast %add3A_27 : i32 to vector<16xi32>
    %add3A_29 = arith.addi %iota3A, %add3A_28 : vector<16xi32>
    %add3A_30 = arith.constant 144 : i32
    %add3A_31 = vector.broadcast %add3A_30 : i32 to vector<16xi32>
    %add3A_32 = arith.addi %iota3A, %add3A_31 : vector<16xi32>
    %add3A_33 = arith.constant 160 : i32
    %add3A_34 = vector.broadcast %add3A_33 : i32 to vector<16xi32>
    %add3A_35 = arith.addi %iota3A, %add3A_34 : vector<16xi32>
    %add3A_36 = arith.constant 176 : i32
    %add3A_37 = vector.broadcast %add3A_36 : i32 to vector<16xi32>
    %add3A_38 = arith.addi %iota3A, %add3A_37 : vector<16xi32>
    %add3A_39 = arith.constant 192 : i32
    %add3A_40 = vector.broadcast %add3A_39 : i32 to vector<16xi32>
    %add3A_41 = arith.addi %iota3A, %add3A_40 : vector<16xi32>
    %add3A_42 = arith.constant 208 : i32
    %add3A_43 = vector.broadcast %add3A_42 : i32 to vector<16xi32>
    %add3A_44 = arith.addi %iota3A, %add3A_43 : vector<16xi32>
    %add3A_45 = arith.constant 224 : i32
    %add3A_46 = vector.broadcast %add3A_45 : i32 to vector<16xi32>
    %add3A_47 = arith.addi %iota3A, %add3A_46 : vector<16xi32>
    %add3A_48 = arith.constant 240 : i32
    %add3A_49 = vector.broadcast %add3A_48 : i32 to vector<16xi32>
    %add3A_50 = arith.addi %iota3A, %add3A_49 : vector<16xi32>
    %broadcast_in_dim3A = arith.constant 0 : i32
    %broadcast_in_dim3A_51 = vector.broadcast %broadcast_in_dim3A : i32 to vector<16xi32>
    %broadcast_in_dim3A_52 = arith.constant 1 : i32
    %broadcast_in_dim3A_53 = vector.broadcast %broadcast_in_dim3A_52 : i32 to vector<16xi32>
    %dma_start3A = arith.constant 0 : i32
    %dma_start3A_54 = arith.constant 0 : i32
    %dma_start3A_55 = arith.constant 0 : i32
    %dma_start3A_56 = tpu.memref_slice %arg6[%dma_start3A_54, %dma_start3A_55] : memref<256x64xf32, #tpu.memory_space<vmem>> -> memref<128x64xf32, #tpu.memory_space<vmem>>
    %dma_start3A_57 = arith.constant 0 : i32
    %dma_start3A_58 = tpu.memref_slice %arg5[%dma_start3A, %dma_start3A_57] : memref<50x512xi32, #tpu.memory_space<vmem>> -> memref<1x128xi32, #tpu.memory_space<vmem>>
    %dma_start3A_59 = tpu.memref_squeeze %dma_start3A_58 : memref<1x128xi32, #tpu.memory_space<vmem>> -> memref<128xi32, #tpu.memory_space<vmem>>
    %dma_start3A_60 = arith.constant 0 : i32
    %dma_start3A_61 = arith.constant 0 : i32
    %dma_start3A_62 = tpu.memref_slice %arg2[%dma_start3A_60, %dma_start3A_61] : memref<1000x64xf32, #tpu.memory_space<hbm>> -> memref<1000x64xf32, #tpu.memory_space<hbm>>
    tpu.enqueue_indirect_dma source(%dma_start3A_62 : memref<1000x64xf32, #tpu.memory_space<hbm>>) target(%dma_start3A_56 : memref<128x64xf32, #tpu.memory_space<vmem>>) offsets(%dma_start3A_59 : memref<128xi32, #tpu.memory_space<vmem>>) semaphore(%arg10 : memref<!tpu.dma_semaphore, #tpu.memory_space<semaphore_mem>>)
    %dma_start3A_63 = arith.constant 0 : i32
    %dma_start3A_64 = arith.constant 128 : i32
    %dma_start3A_65 = arith.constant 0 : i32
    %dma_start3A_66 = tpu.memref_slice %arg6[%dma_start3A_64, %dma_start3A_65] : memref<256x64xf32, #tpu.memory_space<vmem>> -> memref<128x64xf32, #tpu.memory_space<vmem>>
    %dma_start3A_67 = arith.constant 128 : i32
    %dma_start3A_68 = tpu.memref_slice %arg5[%dma_start3A_63, %dma_start3A_67] : memref<50x512xi32, #tpu.memory_space<vmem>> -> memref<1x128xi32, #tpu.memory_space<vmem>>
    %dma_start3A_69 = tpu.memref_squeeze %dma_start3A_68 : memref<1x128xi32, #tpu.memory_space<vmem>> -> memref<128xi32, #tpu.memory_space<vmem>>
    %dma_start3A_70 = arith.constant 0 : i32
    %dma_start3A_71 = arith.constant 0 : i32
    %dma_start3A_72 = tpu.memref_slice %arg2[%dma_start3A_70, %dma_start3A_71] : memref<1000x64xf32, #tpu.memory_space<hbm>> -> memref<1000x64xf32, #tpu.memory_space<hbm>>
    tpu.enqueue_indirect_dma source(%dma_start3A_72 : memref<1000x64xf32, #tpu.memory_space<hbm>>) target(%dma_start3A_66 : memref<128x64xf32, #tpu.memory_space<vmem>>) offsets(%dma_start3A_69 : memref<128xi32, #tpu.memory_space<vmem>>) semaphore(%arg10 : memref<!tpu.dma_semaphore, #tpu.memory_space<semaphore_mem>>)
    %dma_start3A_73 = arith.constant 0 : i32
    %dma_start3A_74 = arith.constant 0 : i32
    %dma_start3A_75 = arith.constant 0 : i32
    %dma_start3A_76 = tpu.memref_slice %arg7[%dma_start3A_74, %dma_start3A_75] : memref<256x64xf32, #tpu.memory_space<vmem>> -> memref<128x64xf32, #tpu.memory_space<vmem>>
    %dma_start3A_77 = arith.constant 256 : i32
    %dma_start3A_78 = tpu.memref_slice %arg5[%dma_start3A_73, %dma_start3A_77] : memref<50x512xi32, #tpu.memory_space<vmem>> -> memref<1x128xi32, #tpu.memory_space<vmem>>
    %dma_start3A_79 = tpu.memref_squeeze %dma_start3A_78 : memref<1x128xi32, #tpu.memory_space<vmem>> -> memref<128xi32, #tpu.memory_space<vmem>>
    %dma_start3A_80 = arith.constant 0 : i32
    %dma_start3A_81 = arith.constant 0 : i32
    %dma_start3A_82 = tpu.memref_slice %arg2[%dma_start3A_80, %dma_start3A_81] : memref<1000x64xf32, #tpu.memory_space<hbm>> -> memref<1000x64xf32, #tpu.memory_space<hbm>>
    tpu.enqueue_indirect_dma source(%dma_start3A_82 : memref<1000x64xf32, #tpu.memory_space<hbm>>) target(%dma_start3A_76 : memref<128x64xf32, #tpu.memory_space<vmem>>) offsets(%dma_start3A_79 : memref<128xi32, #tpu.memory_space<vmem>>) semaphore(%arg11 : memref<!tpu.dma_semaphore, #tpu.memory_space<semaphore_mem>>)
    %dma_start3A_83 = arith.constant 0 : i32
    %dma_start3A_84 = arith.constant 128 : i32
    %dma_start3A_85 = arith.constant 0 : i32
    %dma_start3A_86 = tpu.memref_slice %arg7[%dma_start3A_84, %dma_start3A_85] : memref<256x64xf32, #tpu.memory_space<vmem>> -> memref<128x64xf32, #tpu.memory_space<vmem>>
    %dma_start3A_87 = arith.constant 384 : i32
    %dma_start3A_88 = tpu.memref_slice %arg5[%dma_start3A_83, %dma_start3A_87] : memref<50x512xi32, #tpu.memory_space<vmem>> -> memref<1x128xi32, #tpu.memory_space<vmem>>
    %dma_start3A_89 = tpu.memref_squeeze %dma_start3A_88 : memref<1x128xi32, #tpu.memory_space<vmem>> -> memref<128xi32, #tpu.memory_space<vmem>>
    %dma_start3A_90 = arith.constant 0 : i32
    %dma_start3A_91 = arith.constant 0 : i32
    %dma_start3A_92 = tpu.memref_slice %arg2[%dma_start3A_90, %dma_start3A_91] : memref<1000x64xf32, #tpu.memory_space<hbm>> -> memref<1000x64xf32, #tpu.memory_space<hbm>>
    tpu.enqueue_indirect_dma source(%dma_start3A_92 : memref<1000x64xf32, #tpu.memory_space<hbm>>) target(%dma_start3A_86 : memref<128x64xf32, #tpu.memory_space<vmem>>) offsets(%dma_start3A_89 : memref<128xi32, #tpu.memory_space<vmem>>) semaphore(%arg11 : memref<!tpu.dma_semaphore, #tpu.memory_space<semaphore_mem>>)
    %scan3A = arith.constant 0 : i32
    %scan3A_93 = arith.constant 0 : i32
    %scan3A_94 = arith.constant 50 : i32
    %scan3A_95 = arith.addi %scan3A_93, %scan3A_94 : i32
    %scan3A_96 = arith.constant 1 : i32
    scf.for %scan3A_127 = %scan3A_93 to %scan3A_95 step %scan3A_96  : i32 {
      %mul3A_128 = arith.constant 2 : i32
      %mul3A_129 = arith.muli %mul3A_128, %scan3A_127 : i32
      %gt3A = arith.constant 0 : i32
      %gt3A_130 = arith.cmpi sgt, %scan3A_127, %gt3A : i32
      %convert_element_type3A = arith.extui %gt3A_130 : i1 to i32
      %cond3A = arith.constant 0 : i32
      %cond3A_131 = arith.cmpi ne, %convert_element_type3A, %cond3A : i32
      scf.if %cond3A_131 {
        %sub3A_301 = arith.constant 2 : i32
        %sub3A_302 = arith.subi %mul3A_129, %sub3A_301 : i32
        %jit3A_303 = arith.constant 2 : i32
        %div3A_304 = arith.divsi %sub3A_302, %jit3A_303 : i32
        %sign3A_305 = arith.constant 0 : i32
        %sign3A_306 = arith.cmpi sgt, %sub3A_302, %sign3A_305 : i32
        %sign3A_307 = arith.extui %sign3A_306 : i1 to i32
        %sign3A_308 = arith.constant 0 : i32
        %sign3A_309 = arith.cmpi slt, %sub3A_302, %sign3A_308 : i32
        %sign3A_310 = arith.extui %sign3A_309 : i1 to i32
        %sign3A_311 = arith.subi %sign3A_307, %sign3A_310 : i32
        %sign3A_312 = arith.constant 0 : i32
        %sign3A_313 = arith.cmpi sgt, %jit3A_303, %sign3A_312 : i32
        %sign3A_314 = arith.extui %sign3A_313 : i1 to i32
        %sign3A_315 = arith.constant 0 : i32
        %sign3A_316 = arith.cmpi slt, %jit3A_303, %sign3A_315 : i32
        %sign3A_317 = arith.extui %sign3A_316 : i1 to i32
        %sign3A_318 = arith.subi %sign3A_314, %sign3A_317 : i32
        %ne3A_319 = arith.cmpi ne, %sign3A_311, %sign3A_318 : i32
        %rem3A_320 = arith.remsi %sub3A_302, %jit3A_303 : i32
        %ne3A_321 = arith.constant 0 : i32
        %ne3A_322 = arith.cmpi ne, %rem3A_320, %ne3A_321 : i32
        %and3A_323 = arith.andi %ne3A_319, %ne3A_322 : i1
        %sub3A_324 = arith.constant 1 : i32
        %sub3A_325 = arith.subi %div3A_304, %sub3A_324 : i32
        %select_n3A_326 = arith.select %and3A_323, %sub3A_325, %div3A_304 : i32
        %jit3A_327 = arith.constant 2 : i32
        %eq3A_328 = arith.constant 0 : i32
        %eq3A_329 = arith.cmpi eq, %jit3A_327, %eq3A_328 : i32
        %jit3A_330 = arith.constant 1 : i32
        %select_n3A_331 = arith.select %eq3A_329, %jit3A_330, %jit3A_327 : i32
        %rem3A_332 = arith.remsi %sub3A_302, %select_n3A_331 : i32
        %ne3A_333 = arith.constant 0 : i32
        %ne3A_334 = arith.cmpi ne, %rem3A_332, %ne3A_333 : i32
        %lt3A_335 = arith.constant 0 : i32
        %lt3A_336 = arith.cmpi slt, %rem3A_332, %lt3A_335 : i32
        %lt3A_337 = arith.constant 0 : i32
        %lt3A_338 = arith.cmpi slt, %select_n3A_331, %lt3A_337 : i32
        %ne3A_339 = arith.xori %lt3A_336, %lt3A_338 : i1
        %and3A_340 = arith.andi %ne3A_339, %ne3A_334 : i1
        %add3A_341 = arith.addi %rem3A_332, %select_n3A_331 : i32
        %select_n3A_342 = arith.select %and3A_340, %add3A_341, %rem3A_332 : i32
        %mul3A_343 = arith.constant 4 : i32
        %mul3A_344 = arith.muli %add3A, %mul3A_343 : i32
        %mul3A_345 = arith.constant 2 : i32
        %mul3A_346 = arith.muli %select_n3A_342, %mul3A_345 : i32
        %add3A_347 = arith.addi %mul3A_344, %mul3A_346 : i32
        %dma_wait3A_348 = arith.constant 0 : i32
        %dma_wait3A_349 = arith.constant 0 : i32
        %dma_wait3A_350 = arith.constant 0 : i32
        %dma_wait3A_351 = tpu.memref_slice %arg4[%select_n3A_326, %dma_wait3A_348, %add3A_347, %dma_wait3A_349, %dma_wait3A_350] : memref<50x8x128x8x128xf32, #tpu.memory_space<hbm>> -> memref<1x8x2x8x128xf32, #tpu.memory_space<hbm>>
        %dma_wait3A_352 = tpu.memref_squeeze %dma_wait3A_351 : memref<1x8x2x8x128xf32, #tpu.memory_space<hbm>> -> memref<8x2x8x128xf32, #tpu.memory_space<hbm>>
        %dma_wait3A_353 = arith.constant 0 : i32
        %dma_wait3A_354 = arith.constant 0 : i32
        %dma_wait3A_355 = arith.constant 0 : i32
        %dma_wait3A_356 = tpu.memref_slice %arg4[%select_n3A_326, %dma_wait3A_353, %add3A_347, %dma_wait3A_354, %dma_wait3A_355] : memref<50x8x128x8x128xf32, #tpu.memory_space<hbm>> -> memref<1x8x2x8x128xf32, #tpu.memory_space<hbm>>
        %dma_wait3A_357 = tpu.memref_squeeze %dma_wait3A_356 : memref<1x8x2x8x128xf32, #tpu.memory_space<hbm>> -> memref<8x2x8x128xf32, #tpu.memory_space<hbm>>
        tpu.wait_dma2 semaphore(%arg12 : memref<!tpu.dma_semaphore, #tpu.memory_space<semaphore_mem>>) src(%arg8 : memref<8x2x8x128xf32, #tpu.memory_space<vmem>>) dst(%dma_wait3A_357 : memref<8x2x8x128xf32, #tpu.memory_space<hbm>>)
      } else {
      }
      %dma_wait3A_132 = arith.constant 0 : i32
      %dma_wait3A_133 = arith.constant 0 : i32
      %dma_wait3A_134 = arith.constant 0 : i32
      %dma_wait3A_135 = tpu.memref_slice %arg6[%dma_wait3A_133, %dma_wait3A_134] : memref<256x64xf32, #tpu.memory_space<vmem>> -> memref<128x64xf32, #tpu.memory_space<vmem>>
      %dma_wait3A_136 = arith.constant 0 : i32
      %dma_wait3A_137 = tpu.memref_slice %arg5[%dma_wait3A_132, %dma_wait3A_136] : memref<50x512xi32, #tpu.memory_space<vmem>> -> memref<1x128xi32, #tpu.memory_space<vmem>>
      %dma_wait3A_138 = tpu.memref_squeeze %dma_wait3A_137 : memref<1x128xi32, #tpu.memory_space<vmem>> -> memref<128xi32, #tpu.memory_space<vmem>>
      %dma_wait3A_139 = arith.constant 0 : i32
      %dma_wait3A_140 = arith.constant 0 : i32
      %dma_wait3A_141 = tpu.memref_slice %arg2[%dma_wait3A_139, %dma_wait3A_140] : memref<1000x64xf32, #tpu.memory_space<hbm>> -> memref<1000x64xf32, #tpu.memory_space<hbm>>
      tpu.wait_indirect_dma semaphore(%arg10 : memref<!tpu.dma_semaphore, #tpu.memory_space<semaphore_mem>>) src(%dma_wait3A_141 : memref<1000x64xf32, #tpu.memory_space<hbm>>) dst(%dma_wait3A_135 : memref<128x64xf32, #tpu.memory_space<vmem>>)
      %dma_wait3A_142 = arith.constant 0 : i32
      %dma_wait3A_143 = arith.constant 128 : i32
      %dma_wait3A_144 = arith.constant 0 : i32
      %dma_wait3A_145 = tpu.memref_slice %arg6[%dma_wait3A_143, %dma_wait3A_144] : memref<256x64xf32, #tpu.memory_space<vmem>> -> memref<128x64xf32, #tpu.memory_space<vmem>>
      %dma_wait3A_146 = arith.constant 0 : i32
      %dma_wait3A_147 = tpu.memref_slice %arg5[%dma_wait3A_142, %dma_wait3A_146] : memref<50x512xi32, #tpu.memory_space<vmem>> -> memref<1x128xi32, #tpu.memory_space<vmem>>
      %dma_wait3A_148 = tpu.memref_squeeze %dma_wait3A_147 : memref<1x128xi32, #tpu.memory_space<vmem>> -> memref<128xi32, #tpu.memory_space<vmem>>
      %dma_wait3A_149 = arith.constant 0 : i32
      %dma_wait3A_150 = arith.constant 0 : i32
      %dma_wait3A_151 = tpu.memref_slice %arg2[%dma_wait3A_149, %dma_wait3A_150] : memref<1000x64xf32, #tpu.memory_space<hbm>> -> memref<1000x64xf32, #tpu.memory_space<hbm>>
      tpu.wait_indirect_dma semaphore(%arg10 : memref<!tpu.dma_semaphore, #tpu.memory_space<semaphore_mem>>) src(%dma_wait3A_151 : memref<1000x64xf32, #tpu.memory_space<hbm>>) dst(%dma_wait3A_145 : memref<128x64xf32, #tpu.memory_space<vmem>>)
      %scan3A_152 = arith.constant 0 : i32
      %scan3A_153 = arith.constant 0 : i32
      %scan3A_154 = arith.constant 16 : i32
      %scan3A_155 = arith.addi %scan3A_153, %scan3A_154 : i32
      %scan3A_156 = arith.constant 1 : i32
      scf.for %scan3A_301 = %scan3A_153 to %scan3A_155 step %scan3A_156  : i32 {
        %add3A_302 = vector.broadcast %scan3A_301 : i32 to vector<16xi32>
        %add3A_303 = arith.addi %iota3A, %add3A_302 : vector<16xi32>
        %and3A_304 = arith.constant 15 : i32
        %and3A_305 = vector.broadcast %and3A_304 : i32 to vector<16xi32>
        %and3A_306 = arith.andi %add3A_303, %and3A_305 : vector<16xi32>
        %add3A_307 = arith.constant 0 : i32
        %add3A_308 = vector.broadcast %add3A_307 : i32 to vector<16xi32>
        %add3A_309 = arith.addi %and3A_306, %add3A_308 : vector<16xi32>
        %shift_right_arithmetic3A = arith.constant 3 : i32
        %shift_right_arithmetic3A_310 = vector.broadcast %shift_right_arithmetic3A : i32 to vector<16xi32>
        %shift_right_arithmetic3A_311 = arith.shrsi %add3A_309, %shift_right_arithmetic3A_310 : vector<16xi32>
        %and3A_312 = arith.constant 7 : i32
        %and3A_313 = vector.broadcast %and3A_312 : i32 to vector<16xi32>
        %and3A_314 = arith.andi %add3A_309, %and3A_313 : vector<16xi32>
        %gather3A = tpu.vector_load_idx %arg6[%add3A_5, %add3A_309] : memref<256x64xf32, #tpu.memory_space<vmem>>[vector<16xi32>, vector<16xi32>], vector<16xf32>,
        %gather3A_315 = tpu.vector_load_idx %arg6[%add3A_8, %add3A_309] : memref<256x64xf32, #tpu.memory_space<vmem>>[vector<16xi32>, vector<16xi32>], vector<16xf32>,
        %gather3A_316 = tpu.vector_load_idx %arg6[%add3A_11, %add3A_309] : memref<256x64xf32, #tpu.memory_space<vmem>>[vector<16xi32>, vector<16xi32>], vector<16xf32>,
        %gather3A_317 = tpu.vector_load_idx %arg6[%add3A_14, %add3A_309] : memref<256x64xf32, #tpu.memory_space<vmem>>[vector<16xi32>, vector<16xi32>], vector<16xf32>,
        %gather3A_318 = tpu.vector_load_idx %arg6[%add3A_17, %add3A_309] : memref<256x64xf32, #tpu.memory_space<vmem>>[vector<16xi32>, vector<16xi32>], vector<16xf32>,
        %gather3A_319 = tpu.vector_load_idx %arg6[%add3A_20, %add3A_309] : memref<256x64xf32, #tpu.memory_space<vmem>>[vector<16xi32>, vector<16xi32>], vector<16xf32>,
        %gather3A_320 = tpu.vector_load_idx %arg6[%add3A_23, %add3A_309] : memref<256x64xf32, #tpu.memory_space<vmem>>[vector<16xi32>, vector<16xi32>], vector<16xf32>,
        %gather3A_321 = tpu.vector_load_idx %arg6[%add3A_26, %add3A_309] : memref<256x64xf32, #tpu.memory_space<vmem>>[vector<16xi32>, vector<16xi32>], vector<16xf32>,
        %gather3A_322 = tpu.vector_load_idx %arg6[%add3A_29, %add3A_309] : memref<256x64xf32, #tpu.memory_space<vmem>>[vector<16xi32>, vector<16xi32>], vector<16xf32>,
        %gather3A_323 = tpu.vector_load_idx %arg6[%add3A_32, %add3A_309] : memref<256x64xf32, #tpu.memory_space<vmem>>[vector<16xi32>, vector<16xi32>], vector<16xf32>,
        %gather3A_324 = tpu.vector_load_idx %arg6[%add3A_35, %add3A_309] : memref<256x64xf32, #tpu.memory_space<vmem>>[vector<16xi32>, vector<16xi32>], vector<16xf32>,
        %gather3A_325 = tpu.vector_load_idx %arg6[%add3A_38, %add3A_309] : memref<256x64xf32, #tpu.memory_space<vmem>>[vector<16xi32>, vector<16xi32>], vector<16xf32>,
        %gather3A_326 = tpu.vector_load_idx %arg6[%add3A_41, %add3A_309] : memref<256x64xf32, #tpu.memory_space<vmem>>[vector<16xi32>, vector<16xi32>], vector<16xf32>,
        %gather3A_327 = tpu.vector_load_idx %arg6[%add3A_44, %add3A_309] : memref<256x64xf32, #tpu.memory_space<vmem>>[vector<16xi32>, vector<16xi32>], vector<16xf32>,
        %gather3A_328 = tpu.vector_load_idx %arg6[%add3A_47, %add3A_309] : memref<256x64xf32, #tpu.memory_space<vmem>>[vector<16xi32>, vector<16xi32>], vector<16xf32>,
        %gather3A_329 = tpu.vector_load_idx %arg6[%add3A_50, %add3A_309] : memref<256x64xf32, #tpu.memory_space<vmem>>[vector<16xi32>, vector<16xi32>], vector<16xf32>,
        tpu.vector_store_idx %arg8[%shift_right_arithmetic3A_311, %broadcast_in_dim3A_51, %and3A_314, %add3A_5], %gather3A : memref<8x2x8x128xf32, #tpu.memory_space<vmem>>[vector<16xi32>, vector<16xi32>, vector<16xi32>, vector<16xi32>], vector<16xf32>,
        tpu.vector_store_idx %arg8[%shift_right_arithmetic3A_311, %broadcast_in_dim3A_51, %and3A_314, %add3A_8], %gather3A_315 : memref<8x2x8x128xf32, #tpu.memory_space<vmem>>[vector<16xi32>, vector<16xi32>, vector<16xi32>, vector<16xi32>], vector<16xf32>,
        tpu.vector_store_idx %arg8[%shift_right_arithmetic3A_311, %broadcast_in_dim3A_51, %and3A_314, %add3A_11], %gather3A_316 : memref<8x2x8x128xf32, #tpu.memory_space<vmem>>[vector<16xi32>, vector<16xi32>, vector<16xi32>, vector<16xi32>], vector<16xf32>,
        tpu.vector_store_idx %arg8[%shift_right_arithmetic3A_311, %broadcast_in_dim3A_51, %and3A_314, %add3A_14], %gather3A_317 : memref<8x2x8x128xf32, #tpu.memory_space<vmem>>[vector<16xi32>, vector<16xi32>, vector<16xi32>, vector<16xi32>], vector<16xf32>,
        tpu.vector_store_idx %arg8[%shift_right_arithmetic3A_311, %broadcast_in_dim3A_51, %and3A_314, %add3A_17], %gather3A_318 : memref<8x2x8x128xf32, #tpu.memory_space<vmem>>[vector<16xi32>, vector<16xi32>, vector<16xi32>, vector<16xi32>], vector<16xf32>,
        tpu.vector_store_idx %arg8[%shift_right_arithmetic3A_311, %broadcast_in_dim3A_51, %and3A_314, %add3A_20], %gather3A_319 : memref<8x2x8x128xf32, #tpu.memory_space<vmem>>[vector<16xi32>, vector<16xi32>, vector<16xi32>, vector<16xi32>], vector<16xf32>,
        tpu.vector_store_idx %arg8[%shift_right_arithmetic3A_311, %broadcast_in_dim3A_51, %and3A_314, %add3A_23], %gather3A_320 : memref<8x2x8x128xf32, #tpu.memory_space<vmem>>[vector<16xi32>, vector<16xi32>, vector<16xi32>, vector<16xi32>], vector<16xf32>,
        tpu.vector_store_idx %arg8[%shift_right_arithmetic3A_311, %broadcast_in_dim3A_51, %and3A_314, %add3A_26], %gather3A_321 : memref<8x2x8x128xf32, #tpu.memory_space<vmem>>[vector<16xi32>, vector<16xi32>, vector<16xi32>, vector<16xi32>], vector<16xf32>,
        tpu.vector_store_idx %arg8[%shift_right_arithmetic3A_311, %broadcast_in_dim3A_53, %and3A_314, %add3A_5], %gather3A_322 : memref<8x2x8x128xf32, #tpu.memory_space<vmem>>[vector<16xi32>, vector<16xi32>, vector<16xi32>, vector<16xi32>], vector<16xf32>,
        tpu.vector_store_idx %arg8[%shift_right_arithmetic3A_311, %broadcast_in_dim3A_53, %and3A_314, %add3A_8], %gather3A_323 : memref<8x2x8x128xf32, #tpu.memory_space<vmem>>[vector<16xi32>, vector<16xi32>, vector<16xi32>, vector<16xi32>], vector<16xf32>,
        tpu.vector_store_idx %arg8[%shift_right_arithmetic3A_311, %broadcast_in_dim3A_53, %and3A_314, %add3A_11], %gather3A_324 : memref<8x2x8x128xf32, #tpu.memory_space<vmem>>[vector<16xi32>, vector<16xi32>, vector<16xi32>, vector<16xi32>], vector<16xf32>,
        tpu.vector_store_idx %arg8[%shift_right_arithmetic3A_311, %broadcast_in_dim3A_53, %and3A_314, %add3A_14], %gather3A_325 : memref<8x2x8x128xf32, #tpu.memory_space<vmem>>[vector<16xi32>, vector<16xi32>, vector<16xi32>, vector<16xi32>], vector<16xf32>,
        tpu.vector_store_idx %arg8[%shift_right_arithmetic3A_311, %broadcast_in_dim3A_53, %and3A_314, %add3A_17], %gather3A_326 : memref<8x2x8x128xf32, #tpu.memory_space<vmem>>[vector<16xi32>, vector<16xi32>, vector<16xi32>, vector<16xi32>], vector<16xf32>,
        tpu.vector_store_idx %arg8[%shift_right_arithmetic3A_311, %broadcast_in_dim3A_53, %and3A_314, %add3A_20], %gather3A_327 : memref<8x2x8x128xf32, #tpu.memory_space<vmem>>[vector<16xi32>, vector<16xi32>, vector<16xi32>, vector<16xi32>], vector<16xf32>,
        tpu.vector_store_idx %arg8[%shift_right_arithmetic3A_311, %broadcast_in_dim3A_53, %and3A_314, %add3A_23], %gather3A_328 : memref<8x2x8x128xf32, #tpu.memory_space<vmem>>[vector<16xi32>, vector<16xi32>, vector<16xi32>, vector<16xi32>], vector<16xf32>,
        tpu.vector_store_idx %arg8[%shift_right_arithmetic3A_311, %broadcast_in_dim3A_53, %and3A_314, %add3A_26], %gather3A_329 : memref<8x2x8x128xf32, #tpu.memory_space<vmem>>[vector<16xi32>, vector<16xi32>, vector<16xi32>, vector<16xi32>], vector<16xf32>,
        %add3A_330 = arith.constant 16 : i32
        %add3A_331 = vector.broadcast %add3A_330 : i32 to vector<16xi32>
        %add3A_332 = arith.addi %and3A_306, %add3A_331 : vector<16xi32>
        %shift_right_arithmetic3A_333 = arith.constant 3 : i32
        %shift_right_arithmetic3A_334 = vector.broadcast %shift_right_arithmetic3A_333 : i32 to vector<16xi32>
        %shift_right_arithmetic3A_335 = arith.shrsi %add3A_332, %shift_right_arithmetic3A_334 : vector<16xi32>
        %and3A_336 = arith.constant 7 : i32
        %and3A_337 = vector.broadcast %and3A_336 : i32 to vector<16xi32>
        %and3A_338 = arith.andi %add3A_332, %and3A_337 : vector<16xi32>
        %gather3A_339 = tpu.vector_load_idx %arg6[%add3A_5, %add3A_332] : memref<256x64xf32, #tpu.memory_space<vmem>>[vector<16xi32>, vector<16xi32>], vector<16xf32>,
        %gather3A_340 = tpu.vector_load_idx %arg6[%add3A_8, %add3A_332] : memref<256x64xf32, #tpu.memory_space<vmem>>[vector<16xi32>, vector<16xi32>], vector<16xf32>,
        %gather3A_341 = tpu.vector_load_idx %arg6[%add3A_11, %add3A_332] : memref<256x64xf32, #tpu.memory_space<vmem>>[vector<16xi32>, vector<16xi32>], vector<16xf32>,
        %gather3A_342 = tpu.vector_load_idx %arg6[%add3A_14, %add3A_332] : memref<256x64xf32, #tpu.memory_space<vmem>>[vector<16xi32>, vector<16xi32>], vector<16xf32>,
        %gather3A_343 = tpu.vector_load_idx %arg6[%add3A_17, %add3A_332] : memref<256x64xf32, #tpu.memory_space<vmem>>[vector<16xi32>, vector<16xi32>], vector<16xf32>,
        %gather3A_344 = tpu.vector_load_idx %arg6[%add3A_20, %add3A_332] : memref<256x64xf32, #tpu.memory_space<vmem>>[vector<16xi32>, vector<16xi32>], vector<16xf32>,
        %gather3A_345 = tpu.vector_load_idx %arg6[%add3A_23, %add3A_332] : memref<256x64xf32, #tpu.memory_space<vmem>>[vector<16xi32>, vector<16xi32>], vector<16xf32>,
        %gather3A_346 = tpu.vector_load_idx %arg6[%add3A_26, %add3A_332] : memref<256x64xf32, #tpu.memory_space<vmem>>[vector<16xi32>, vector<16xi32>], vector<16xf32>,
        %gather3A_347 = tpu.vector_load_idx %arg6[%add3A_29, %add3A_332] : memref<256x64xf32, #tpu.memory_space<vmem>>[vector<16xi32>, vector<16xi32>], vector<16xf32>,
        %gather3A_348 = tpu.vector_load_idx %arg6[%add3A_32, %add3A_332] : memref<256x64xf32, #tpu.memory_space<vmem>>[vector<16xi32>, vector<16xi32>], vector<16xf32>,
        %gather3A_349 = tpu.vector_load_idx %arg6[%add3A_35, %add3A_332] : memref<256x64xf32, #tpu.memory_space<vmem>>[vector<16xi32>, vector<16xi32>], vector<16xf32>,
        %gather3A_350 = tpu.vector_load_idx %arg6[%add3A_38, %add3A_332] : memref<256x64xf32, #tpu.memory_space<vmem>>[vector<16xi32>, vector<16xi32>], vector<16xf32>,
        %gather3A_351 = tpu.vector_load_idx %arg6[%add3A_41, %add3A_332] : memref<256x64xf32, #tpu.memory_space<vmem>>[vector<16xi32>, vector<16xi32>], vector<16xf32>,
        %gather3A_352 = tpu.vector_load_idx %arg6[%add3A_44, %add3A_332] : memref<256x64xf32, #tpu.memory_space<vmem>>[vector<16xi32>, vector<16xi32>], vector<16xf32>,
        %gather3A_353 = tpu.vector_load_idx %arg6[%add3A_47, %add3A_332] : memref<256x64xf32, #tpu.memory_space<vmem>>[vector<16xi32>, vector<16xi32>], vector<16xf32>,
        %gather3A_354 = tpu.vector_load_idx %arg6[%add3A_50, %add3A_332] : memref<256x64xf32, #tpu.memory_space<vmem>>[vector<16xi32>, vector<16xi32>], vector<16xf32>,
        tpu.vector_store_idx %arg8[%shift_right_arithmetic3A_335, %broadcast_in_dim3A_51, %and3A_338, %add3A_5], %gather3A_339 : memref<8x2x8x128xf32, #tpu.memory_space<vmem>>[vector<16xi32>, vector<16xi32>, vector<16xi32>, vector<16xi32>], vector<16xf32>,
        tpu.vector_store_idx %arg8[%shift_right_arithmetic3A_335, %broadcast_in_dim3A_51, %and3A_338, %add3A_8], %gather3A_340 : memref<8x2x8x128xf32, #tpu.memory_space<vmem>>[vector<16xi32>, vector<16xi32>, vector<16xi32>, vector<16xi32>], vector<16xf32>,
        tpu.vector_store_idx %arg8[%shift_right_arithmetic3A_335, %broadcast_in_dim3A_51, %and3A_338, %add3A_11], %gather3A_341 : memref<8x2x8x128xf32, #tpu.memory_space<vmem>>[vector<16xi32>, vector<16xi32>, vector<16xi32>, vector<16xi32>], vector<16xf32>,
        tpu.vector_store_idx %arg8[%shift_right_arithmetic3A_335, %broadcast_in_dim3A_51, %and3A_338, %add3A_14], %gather3A_342 : memref<8x2x8x128xf32, #tpu.memory_space<vmem>>[vector<16xi32>, vector<16xi32>, vector<16xi32>, vector<16xi32>], vector<16xf32>,
        tpu.vector_store_idx %arg8[%shift_right_arithmetic3A_335, %broadcast_in_dim3A_51, %and3A_338, %add3A_17], %gather3A_343 : memref<8x2x8x128xf32, #tpu.memory_space<vmem>>[vector<16xi32>, vector<16xi32>, vector<16xi32>, vector<16xi32>], vector<16xf32>,
        tpu.vector_store_idx %arg8[%shift_right_arithmetic3A_335, %broadcast_in_dim3A_51, %and3A_338, %add3A_20], %gather3A_344 : memref<8x2x8x128xf32, #tpu.memory_space<vmem>>[vector<16xi32>, vector<16xi32>, vector<16xi32>, vector<16xi32>], vector<16xf32>,
        tpu.vector_store_idx %arg8[%shift_right_arithmetic3A_335, %broadcast_in_dim3A_51, %and3A_338, %add3A_23], %gather3A_345 : memref<8x2x8x128xf32, #tpu.memory_space<vmem>>[vector<16xi32>, vector<16xi32>, vector<16xi32>, vector<16xi32>], vector<16xf32>,
        tpu.vector_store_idx %arg8[%shift_right_arithmetic3A_335, %broadcast_in_dim3A_51, %and3A_338, %add3A_26], %gather3A_346 : memref<8x2x8x128xf32, #tpu.memory_space<vmem>>[vector<16xi32>, vector<16xi32>, vector<16xi32>, vector<16xi32>], vector<16xf32>,
        tpu.vector_store_idx %arg8[%shift_right_arithmetic3A_335, %broadcast_in_dim3A_53, %and3A_338, %add3A_5], %gather3A_347 : memref<8x2x8x128xf32, #tpu.memory_space<vmem>>[vector<16xi32>, vector<16xi32>, vector<16xi32>, vector<16xi32>], vector<16xf32>,
        tpu.vector_store_idx %arg8[%shift_right_arithmetic3A_335, %broadcast_in_dim3A_53, %and3A_338, %add3A_8], %gather3A_348 : memref<8x2x8x128xf32, #tpu.memory_space<vmem>>[vector<16xi32>, vector<16xi32>, vector<16xi32>, vector<16xi32>], vector<16xf32>,
        tpu.vector_store_idx %arg8[%shift_right_arithmetic3A_335, %broadcast_in_dim3A_53, %and3A_338, %add3A_11], %gather3A_349 : memref<8x2x8x128xf32, #tpu.memory_space<vmem>>[vector<16xi32>, vector<16xi32>, vector<16xi32>, vector<16xi32>], vector<16xf32>,
        tpu.vector_store_idx %arg8[%shift_right_arithmetic3A_335, %broadcast_in_dim3A_53, %and3A_338, %add3A_14], %gather3A_350 : memref<8x2x8x128xf32, #tpu.memory_space<vmem>>[vector<16xi32>, vector<16xi32>, vector<16xi32>, vector<16xi32>], vector<16xf32>,
        tpu.vector_store_idx %arg8[%shift_right_arithmetic3A_335, %broadcast_in_dim3A_53, %and3A_338, %add3A_17], %gather3A_351 : memref<8x2x8x128xf32, #tpu.memory_space<vmem>>[vector<16xi32>, vector<16xi32>, vector<16xi32>, vector<16xi32>], vector<16xf32>,
        tpu.vector_store_idx %arg8[%shift_right_arithmetic3A_335, %broadcast_in_dim3A_53, %and3A_338, %add3A_20], %gather3A_352 : memref<8x2x8x128xf32, #tpu.memory_space<vmem>>[vector<16xi32>, vector<16xi32>, vector<16xi32>, vector<16xi32>], vector<16xf32>,
        tpu.vector_store_idx %arg8[%shift_right_arithmetic3A_335, %broadcast_in_dim3A_53, %and3A_338, %add3A_23], %gather3A_353 : memref<8x2x8x128xf32, #tpu.memory_space<vmem>>[vector<16xi32>, vector<16xi32>, vector<16xi32>, vector<16xi32>], vector<16xf32>,
        tpu.vector_store_idx %arg8[%shift_right_arithmetic3A_335, %broadcast_in_dim3A_53, %and3A_338, %add3A_26], %gather3A_354 : memref<8x2x8x128xf32, #tpu.memory_space<vmem>>[vector<16xi32>, vector<16xi32>, vector<16xi32>, vector<16xi32>], vector<16xf32>,
        %add3A_355 = arith.constant 32 : i32
        %add3A_356 = vector.broadcast %add3A_355 : i32 to vector<16xi32>
        %add3A_357 = arith.addi %and3A_306, %add3A_356 : vector<16xi32>
        %shift_right_arithmetic3A_358 = arith.constant 3 : i32
        %shift_right_arithmetic3A_359 = vector.broadcast %shift_right_arithmetic3A_358 : i32 to vector<16xi32>
        %shift_right_arithmetic3A_360 = arith.shrsi %add3A_357, %shift_right_arithmetic3A_359 : vector<16xi32>
        %and3A_361 = arith.constant 7 : i32
        %and3A_362 = vector.broadcast %and3A_361 : i32 to vector<16xi32>
        %and3A_363 = arith.andi %add3A_357, %and3A_362 : vector<16xi32>
        %gather3A_364 = tpu.vector_load_idx %arg6[%add3A_5, %add3A_357] : memref<256x64xf32, #tpu.memory_space<vmem>>[vector<16xi32>, vector<16xi32>], vector<16xf32>,
        %gather3A_365 = tpu.vector_load_idx %arg6[%add3A_8, %add3A_357] : memref<256x64xf32, #tpu.memory_space<vmem>>[vector<16xi32>, vector<16xi32>], vector<16xf32>,
        %gather3A_366 = tpu.vector_load_idx %arg6[%add3A_11, %add3A_357] : memref<256x64xf32, #tpu.memory_space<vmem>>[vector<16xi32>, vector<16xi32>], vector<16xf32>,
        %gather3A_367 = tpu.vector_load_idx %arg6[%add3A_14, %add3A_357] : memref<256x64xf32, #tpu.memory_space<vmem>>[vector<16xi32>, vector<16xi32>], vector<16xf32>,
        %gather3A_368 = tpu.vector_load_idx %arg6[%add3A_17, %add3A_357] : memref<256x64xf32, #tpu.memory_space<vmem>>[vector<16xi32>, vector<16xi32>], vector<16xf32>,
        %gather3A_369 = tpu.vector_load_idx %arg6[%add3A_20, %add3A_357] : memref<256x64xf32, #tpu.memory_space<vmem>>[vector<16xi32>, vector<16xi32>], vector<16xf32>,
        %gather3A_370 = tpu.vector_load_idx %arg6[%add3A_23, %add3A_357] : memref<256x64xf32, #tpu.memory_space<vmem>>[vector<16xi32>, vector<16xi32>], vector<16xf32>,
        %gather3A_371 = tpu.vector_load_idx %arg6[%add3A_26, %add3A_357] : memref<256x64xf32, #tpu.memory_space<vmem>>[vector<16xi32>, vector<16xi32>], vector<16xf32>,
        %gather3A_372 = tpu.vector_load_idx %arg6[%add3A_29, %add3A_357] : memref<256x64xf32, #tpu.memory_space<vmem>>[vector<16xi32>, vector<16xi32>], vector<16xf32>,
        %gather3A_373 = tpu.vector_load_idx %arg6[%add3A_32, %add3A_357] : memref<256x64xf32, #tpu.memory_space<vmem>>[vector<16xi32>, vector<16xi32>], vector<16xf32>,
        %gather3A_374 = tpu.vector_load_idx %arg6[%add3A_35, %add3A_357] : memref<256x64xf32, #tpu.memory_space<vmem>>[vector<16xi32>, vector<16xi32>], vector<16xf32>,
        %gather3A_375 = tpu.vector_load_idx %arg6[%add3A_38, %add3A_357] : memref<256x64xf32, #tpu.memory_space<vmem>>[vector<16xi32>, vector<16xi32>], vector<16xf32>,
        %gather3A_376 = tpu.vector_load_idx %arg6[%add3A_41, %add3A_357] : memref<256x64xf32, #tpu.memory_space<vmem>>[vector<16xi32>, vector<16xi32>], vector<16xf32>,
        %gather3A_377 = tpu.vector_load_idx %arg6[%add3A_44, %add3A_357] : memref<256x64xf32, #tpu.memory_space<vmem>>[vector<16xi32>, vector<16xi32>], vector<16xf32>,
        %gather3A_378 = tpu.vector_load_idx %arg6[%add3A_47, %add3A_357] : memref<256x64xf32, #tpu.memory_space<vmem>>[vector<16xi32>, vector<16xi32>], vector<16xf32>,
        %gather3A_379 = tpu.vector_load_idx %arg6[%add3A_50, %add3A_357] : memref<256x64xf32, #tpu.memory_space<vmem>>[vector<16xi32>, vector<16xi32>], vector<16xf32>,
        tpu.vector_store_idx %arg8[%shift_right_arithmetic3A_360, %broadcast_in_dim3A_51, %and3A_363, %add3A_5], %gather3A_364 : memref<8x2x8x128xf32, #tpu.memory_space<vmem>>[vector<16xi32>, vector<16xi32>, vector<16xi32>, vector<16xi32>], vector<16xf32>,
        tpu.vector_store_idx %arg8[%shift_right_arithmetic3A_360, %broadcast_in_dim3A_51, %and3A_363, %add3A_8], %gather3A_365 : memref<8x2x8x128xf32, #tpu.memory_space<vmem>>[vector<16xi32>, vector<16xi32>, vector<16xi32>, vector<16xi32>], vector<16xf32>,
        tpu.vector_store_idx %arg8[%shift_right_arithmetic3A_360, %broadcast_in_dim3A_51, %and3A_363, %add3A_11], %gather3A_366 : memref<8x2x8x128xf32, #tpu.memory_space<vmem>>[vector<16xi32>, vector<16xi32>, vector<16xi32>, vector<16xi32>], vector<16xf32>,
        tpu.vector_store_idx %arg8[%shift_right_arithmetic3A_360, %broadcast_in_dim3A_51, %and3A_363, %add3A_14], %gather3A_367 : memref<8x2x8x128xf32, #tpu.memory_space<vmem>>[vector<16xi32>, vector<16xi32>, vector<16xi32>, vector<16xi32>], vector<16xf32>,
        tpu.vector_store_idx %arg8[%shift_right_arithmetic3A_360, %broadcast_in_dim3A_51, %and3A_363, %add3A_17], %gather3A_368 : memref<8x2x8x128xf32, #tpu.memory_space<vmem>>[vector<16xi32>, vector<16xi32>, vector<16xi32>, vector<16xi32>], vector<16xf32>,
        tpu.vector_store_idx %arg8[%shift_right_arithmetic3A_360, %broadcast_in_dim3A_51, %and3A_363, %add3A_20], %gather3A_369 : memref<8x2x8x128xf32, #tpu.memory_space<vmem>>[vector<16xi32>, vector<16xi32>, vector<16xi32>, vector<16xi32>], vector<16xf32>,
        tpu.vector_store_idx %arg8[%shift_right_arithmetic3A_360, %broadcast_in_dim3A_51, %and3A_363, %add3A_23], %gather3A_370 : memref<8x2x8x128xf32, #tpu.memory_space<vmem>>[vector<16xi32>, vector<16xi32>, vector<16xi32>, vector<16xi32>], vector<16xf32>,
        tpu.vector_store_idx %arg8[%shift_right_arithmetic3A_360, %broadcast_in_dim3A_51, %and3A_363, %add3A_26], %gather3A_371 : memref<8x2x8x128xf32, #tpu.memory_space<vmem>>[vector<16xi32>, vector<16xi32>, vector<16xi32>, vector<16xi32>], vector<16xf32>,
        tpu.vector_store_idx %arg8[%shift_right_arithmetic3A_360, %broadcast_in_dim3A_53, %and3A_363, %add3A_5], %gather3A_372 : memref<8x2x8x128xf32, #tpu.memory_space<vmem>>[vector<16xi32>, vector<16xi32>, vector<16xi32>, vector<16xi32>], vector<16xf32>,
        tpu.vector_store_idx %arg8[%shift_right_arithmetic3A_360, %broadcast_in_dim3A_53, %and3A_363, %add3A_8], %gather3A_373 : memref<8x2x8x128xf32, #tpu.memory_space<vmem>>[vector<16xi32>, vector<16xi32>, vector<16xi32>, vector<16xi32>], vector<16xf32>,
        tpu.vector_store_idx %arg8[%shift_right_arithmetic3A_360, %broadcast_in_dim3A_53, %and3A_363, %add3A_11], %gather3A_374 : memref<8x2x8x128xf32, #tpu.memory_space<vmem>>[vector<16xi32>, vector<16xi32>, vector<16xi32>, vector<16xi32>], vector<16xf32>,
        tpu.vector_store_idx %arg8[%shift_right_arithmetic3A_360, %broadcast_in_dim3A_53, %and3A_363, %add3A_14], %gather3A_375 : memref<8x2x8x128xf32, #tpu.memory_space<vmem>>[vector<16xi32>, vector<16xi32>, vector<16xi32>, vector<16xi32>], vector<16xf32>,
        tpu.vector_store_idx %arg8[%shift_right_arithmetic3A_360, %broadcast_in_dim3A_53, %and3A_363, %add3A_17], %gather3A_376 : memref<8x2x8x128xf32, #tpu.memory_space<vmem>>[vector<16xi32>, vector<16xi32>, vector<16xi32>, vector<16xi32>], vector<16xf32>,
        tpu.vector_store_idx %arg8[%shift_right_arithmetic3A_360, %broadcast_in_dim3A_53, %and3A_363, %add3A_20], %gather3A_377 : memref<8x2x8x128xf32, #tpu.memory_space<vmem>>[vector<16xi32>, vector<16xi32>, vector<16xi32>, vector<16xi32>], vector<16xf32>,
        tpu.vector_store_idx %arg8[%shift_right_arithmetic3A_360, %broadcast_in_dim3A_53, %and3A_363, %add3A_23], %gather3A_378 : memref<8x2x8x128xf32, #tpu.memory_space<vmem>>[vector<16xi32>, vector<16xi32>, vector<16xi32>, vector<16xi32>], vector<16xf32>,
        tpu.vector_store_idx %arg8[%shift_right_arithmetic3A_360, %broadcast_in_dim3A_53, %and3A_363, %add3A_26], %gather3A_379 : memref<8x2x8x128xf32, #tpu.memory_space<vmem>>[vector<16xi32>, vector<16xi32>, vector<16xi32>, vector<16xi32>], vector<16xf32>,
        %add3A_380 = arith.constant 48 : i32
        %add3A_381 = vector.broadcast %add3A_380 : i32 to vector<16xi32>
        %add3A_382 = arith.addi %and3A_306, %add3A_381 : vector<16xi32>
        %shift_right_arithmetic3A_383 = arith.constant 3 : i32
        %shift_right_arithmetic3A_384 = vector.broadcast %shift_right_arithmetic3A_383 : i32 to vector<16xi32>
        %shift_right_arithmetic3A_385 = arith.shrsi %add3A_382, %shift_right_arithmetic3A_384 : vector<16xi32>
        %and3A_386 = arith.constant 7 : i32
        %and3A_387 = vector.broadcast %and3A_386 : i32 to vector<16xi32>
        %and3A_388 = arith.andi %add3A_382, %and3A_387 : vector<16xi32>
        %gather3A_389 = tpu.vector_load_idx %arg6[%add3A_5, %add3A_382] : memref<256x64xf32, #tpu.memory_space<vmem>>[vector<16xi32>, vector<16xi32>], vector<16xf32>,
        %gather3A_390 = tpu.vector_load_idx %arg6[%add3A_8, %add3A_382] : memref<256x64xf32, #tpu.memory_space<vmem>>[vector<16xi32>, vector<16xi32>], vector<16xf32>,
        %gather3A_391 = tpu.vector_load_idx %arg6[%add3A_11, %add3A_382] : memref<256x64xf32, #tpu.memory_space<vmem>>[vector<16xi32>, vector<16xi32>], vector<16xf32>,
        %gather3A_392 = tpu.vector_load_idx %arg6[%add3A_14, %add3A_382] : memref<256x64xf32, #tpu.memory_space<vmem>>[vector<16xi32>, vector<16xi32>], vector<16xf32>,
        %gather3A_393 = tpu.vector_load_idx %arg6[%add3A_17, %add3A_382] : memref<256x64xf32, #tpu.memory_space<vmem>>[vector<16xi32>, vector<16xi32>], vector<16xf32>,
        %gather3A_394 = tpu.vector_load_idx %arg6[%add3A_20, %add3A_382] : memref<256x64xf32, #tpu.memory_space<vmem>>[vector<16xi32>, vector<16xi32>], vector<16xf32>,
        %gather3A_395 = tpu.vector_load_idx %arg6[%add3A_23, %add3A_382] : memref<256x64xf32, #tpu.memory_space<vmem>>[vector<16xi32>, vector<16xi32>], vector<16xf32>,
        %gather3A_396 = tpu.vector_load_idx %arg6[%add3A_26, %add3A_382] : memref<256x64xf32, #tpu.memory_space<vmem>>[vector<16xi32>, vector<16xi32>], vector<16xf32>,
        %gather3A_397 = tpu.vector_load_idx %arg6[%add3A_29, %add3A_382] : memref<256x64xf32, #tpu.memory_space<vmem>>[vector<16xi32>, vector<16xi32>], vector<16xf32>,
        %gather3A_398 = tpu.vector_load_idx %arg6[%add3A_32, %add3A_382] : memref<256x64xf32, #tpu.memory_space<vmem>>[vector<16xi32>, vector<16xi32>], vector<16xf32>,
        %gather3A_399 = tpu.vector_load_idx %arg6[%add3A_35, %add3A_382] : memref<256x64xf32, #tpu.memory_space<vmem>>[vector<16xi32>, vector<16xi32>], vector<16xf32>,
        %gather3A_400 = tpu.vector_load_idx %arg6[%add3A_38, %add3A_382] : memref<256x64xf32, #tpu.memory_space<vmem>>[vector<16xi32>, vector<16xi32>], vector<16xf32>,
        %gather3A_401 = tpu.vector_load_idx %arg6[%add3A_41, %add3A_382] : memref<256x64xf32, #tpu.memory_space<vmem>>[vector<16xi32>, vector<16xi32>], vector<16xf32>,
        %gather3A_402 = tpu.vector_load_idx %arg6[%add3A_44, %add3A_382] : memref<256x64xf32, #tpu.memory_space<vmem>>[vector<16xi32>, vector<16xi32>], vector<16xf32>,
        %gather3A_403 = tpu.vector_load_idx %arg6[%add3A_47, %add3A_382] : memref<256x64xf32, #tpu.memory_space<vmem>>[vector<16xi32>, vector<16xi32>], vector<16xf32>,
        %gather3A_404 = tpu.vector_load_idx %arg6[%add3A_50, %add3A_382] : memref<256x64xf32, #tpu.memory_space<vmem>>[vector<16xi32>, vector<16xi32>], vector<16xf32>,
        tpu.vector_store_idx %arg8[%shift_right_arithmetic3A_385, %broadcast_in_dim3A_51, %and3A_388, %add3A_5], %gather3A_389 : memref<8x2x8x128xf32, #tpu.memory_space<vmem>>[vector<16xi32>, vector<16xi32>, vector<16xi32>, vector<16xi32>], vector<16xf32>,
        tpu.vector_store_idx %arg8[%shift_right_arithmetic3A_385, %broadcast_in_dim3A_51, %and3A_388, %add3A_8], %gather3A_390 : memref<8x2x8x128xf32, #tpu.memory_space<vmem>>[vector<16xi32>, vector<16xi32>, vector<16xi32>, vector<16xi32>], vector<16xf32>,
        tpu.vector_store_idx %arg8[%shift_right_arithmetic3A_385, %broadcast_in_dim3A_51, %and3A_388, %add3A_11], %gather3A_391 : memref<8x2x8x128xf32, #tpu.memory_space<vmem>>[vector<16xi32>, vector<16xi32>, vector<16xi32>, vector<16xi32>], vector<16xf32>,
        tpu.vector_store_idx %arg8[%shift_right_arithmetic3A_385, %broadcast_in_dim3A_51, %and3A_388, %add3A_14], %gather3A_392 : memref<8x2x8x128xf32, #tpu.memory_space<vmem>>[vector<16xi32>, vector<16xi32>, vector<16xi32>, vector<16xi32>], vector<16xf32>,
        tpu.vector_store_idx %arg8[%shift_right_arithmetic3A_385, %broadcast_in_dim3A_51, %and3A_388, %add3A_17], %gather3A_393 : memref<8x2x8x128xf32, #tpu.memory_space<vmem>>[vector<16xi32>, vector<16xi32>, vector<16xi32>, vector<16xi32>], vector<16xf32>,
        tpu.vector_store_idx %arg8[%shift_right_arithmetic3A_385, %broadcast_in_dim3A_51, %and3A_388, %add3A_20], %gather3A_394 : memref<8x2x8x128xf32, #tpu.memory_space<vmem>>[vector<16xi32>, vector<16xi32>, vector<16xi32>, vector<16xi32>], vector<16xf32>,
        tpu.vector_store_idx %arg8[%shift_right_arithmetic3A_385, %broadcast_in_dim3A_51, %and3A_388, %add3A_23], %gather3A_395 : memref<8x2x8x128xf32, #tpu.memory_space<vmem>>[vector<16xi32>, vector<16xi32>, vector<16xi32>, vector<16xi32>], vector<16xf32>,
        tpu.vector_store_idx %arg8[%shift_right_arithmetic3A_385, %broadcast_in_dim3A_51, %and3A_388, %add3A_26], %gather3A_396 : memref<8x2x8x128xf32, #tpu.memory_space<vmem>>[vector<16xi32>, vector<16xi32>, vector<16xi32>, vector<16xi32>], vector<16xf32>,
        tpu.vector_store_idx %arg8[%shift_right_arithmetic3A_385, %broadcast_in_dim3A_53, %and3A_388, %add3A_5], %gather3A_397 : memref<8x2x8x128xf32, #tpu.memory_space<vmem>>[vector<16xi32>, vector<16xi32>, vector<16xi32>, vector<16xi32>], vector<16xf32>,
        tpu.vector_store_idx %arg8[%shift_right_arithmetic3A_385, %broadcast_in_dim3A_53, %and3A_388, %add3A_8], %gather3A_398 : memref<8x2x8x128xf32, #tpu.memory_space<vmem>>[vector<16xi32>, vector<16xi32>, vector<16xi32>, vector<16xi32>], vector<16xf32>,
        tpu.vector_store_idx %arg8[%shift_right_arithmetic3A_385, %broadcast_in_dim3A_53, %and3A_388, %add3A_11], %gather3A_399 : memref<8x2x8x128xf32, #tpu.memory_space<vmem>>[vector<16xi32>, vector<16xi32>, vector<16xi32>, vector<16xi32>], vector<16xf32>,
        tpu.vector_store_idx %arg8[%shift_right_arithmetic3A_385, %broadcast_in_dim3A_53, %and3A_388, %add3A_14], %gather3A_400 : memref<8x2x8x128xf32, #tpu.memory_space<vmem>>[vector<16xi32>, vector<16xi32>, vector<16xi32>, vector<16xi32>], vector<16xf32>,
        tpu.vector_store_idx %arg8[%shift_right_arithmetic3A_385, %broadcast_in_dim3A_53, %and3A_388, %add3A_17], %gather3A_401 : memref<8x2x8x128xf32, #tpu.memory_space<vmem>>[vector<16xi32>, vector<16xi32>, vector<16xi32>, vector<16xi32>], vector<16xf32>,
        tpu.vector_store_idx %arg8[%shift_right_arithmetic3A_385, %broadcast_in_dim3A_53, %and3A_388, %add3A_20], %gather3A_402 : memref<8x2x8x128xf32, #tpu.memory_space<vmem>>[vector<16xi32>, vector<16xi32>, vector<16xi32>, vector<16xi32>], vector<16xf32>,
        tpu.vector_store_idx %arg8[%shift_right_arithmetic3A_385, %broadcast_in_dim3A_53, %and3A_388, %add3A_23], %gather3A_403 : memref<8x2x8x128xf32, #tpu.memory_space<vmem>>[vector<16xi32>, vector<16xi32>, vector<16xi32>, vector<16xi32>], vector<16xf32>,
        tpu.vector_store_idx %arg8[%shift_right_arithmetic3A_385, %broadcast_in_dim3A_53, %and3A_388, %add3A_26], %gather3A_404 : memref<8x2x8x128xf32, #tpu.memory_space<vmem>>[vector<16xi32>, vector<16xi32>, vector<16xi32>, vector<16xi32>], vector<16xf32>,
      }
      %scan3A_157 = arith.constant 16 : i32
      %jit3A = arith.constant 2 : i32
      %div3A = arith.divsi %mul3A_129, %jit3A : i32
      %sign3A = arith.constant 0 : i32
      %sign3A_158 = arith.cmpi sgt, %mul3A_129, %sign3A : i32
      %sign3A_159 = arith.extui %sign3A_158 : i1 to i32
      %sign3A_160 = arith.constant 0 : i32
      %sign3A_161 = arith.cmpi slt, %mul3A_129, %sign3A_160 : i32
      %sign3A_162 = arith.extui %sign3A_161 : i1 to i32
      %sign3A_163 = arith.subi %sign3A_159, %sign3A_162 : i32
      %sign3A_164 = arith.constant 0 : i32
      %sign3A_165 = arith.cmpi sgt, %jit3A, %sign3A_164 : i32
      %sign3A_166 = arith.extui %sign3A_165 : i1 to i32
      %sign3A_167 = arith.constant 0 : i32
      %sign3A_168 = arith.cmpi slt, %jit3A, %sign3A_167 : i32
      %sign3A_169 = arith.extui %sign3A_168 : i1 to i32
      %sign3A_170 = arith.subi %sign3A_166, %sign3A_169 : i32
      %ne3A = arith.cmpi ne, %sign3A_163, %sign3A_170 : i32
      %rem3A = arith.remsi %mul3A_129, %jit3A : i32
      %ne3A_171 = arith.constant 0 : i32
      %ne3A_172 = arith.cmpi ne, %rem3A, %ne3A_171 : i32
      %and3A = arith.andi %ne3A, %ne3A_172 : i1
      %sub3A = arith.constant 1 : i32
      %sub3A_173 = arith.subi %div3A, %sub3A : i32
      %select_n3A = arith.select %and3A, %sub3A_173, %div3A : i32
      %jit3A_174 = arith.constant 2 : i32
      %eq3A = arith.constant 0 : i32
      %eq3A_175 = arith.cmpi eq, %jit3A_174, %eq3A : i32
      %jit3A_176 = arith.constant 1 : i32
      %select_n3A_177 = arith.select %eq3A_175, %jit3A_176, %jit3A_174 : i32
      %rem3A_178 = arith.remsi %mul3A_129, %select_n3A_177 : i32
      %ne3A_179 = arith.constant 0 : i32
      %ne3A_180 = arith.cmpi ne, %rem3A_178, %ne3A_179 : i32
      %lt3A = arith.constant 0 : i32
      %lt3A_181 = arith.cmpi slt, %rem3A_178, %lt3A : i32
      %lt3A_182 = arith.constant 0 : i32
      %lt3A_183 = arith.cmpi slt, %select_n3A_177, %lt3A_182 : i32
      %ne3A_184 = arith.xori %lt3A_181, %lt3A_183 : i1
      %and3A_185 = arith.andi %ne3A_184, %ne3A_180 : i1
      %add3A_186 = arith.addi %rem3A_178, %select_n3A_177 : i32
      %select_n3A_187 = arith.select %and3A_185, %add3A_186, %rem3A_178 : i32
      %mul3A_188 = arith.constant 4 : i32
      %mul3A_189 = arith.muli %add3A, %mul3A_188 : i32
      %mul3A_190 = arith.constant 2 : i32
      %mul3A_191 = arith.muli %select_n3A_187, %mul3A_190 : i32
      %add3A_192 = arith.addi %mul3A_189, %mul3A_191 : i32
      %dma_start3A_193 = arith.constant 0 : i32
      %dma_start3A_194 = arith.constant 0 : i32
      %dma_start3A_195 = arith.constant 0 : i32
      %dma_start3A_196 = tpu.memref_slice %arg4[%select_n3A, %dma_start3A_193, %add3A_192, %dma_start3A_194, %dma_start3A_195] : memref<50x8x128x8x128xf32, #tpu.memory_space<hbm>> -> memref<1x8x2x8x128xf32, #tpu.memory_space<hbm>>
      %dma_start3A_197 = tpu.memref_squeeze %dma_start3A_196 : memref<1x8x2x8x128xf32, #tpu.memory_space<hbm>> -> memref<8x2x8x128xf32, #tpu.memory_space<hbm>>
      %dma_start3A_198 = arith.constant 0 : i32
      %dma_start3A_199 = arith.constant 0 : i32
      %dma_start3A_200 = arith.constant 0 : i32
      %dma_start3A_201 = tpu.memref_slice %arg4[%select_n3A, %dma_start3A_198, %add3A_192, %dma_start3A_199, %dma_start3A_200] : memref<50x8x128x8x128xf32, #tpu.memory_space<hbm>> -> memref<1x8x2x8x128xf32, #tpu.memory_space<hbm>>
      %dma_start3A_202 = tpu.memref_squeeze %dma_start3A_201 : memref<1x8x2x8x128xf32, #tpu.memory_space<hbm>> -> memref<8x2x8x128xf32, #tpu.memory_space<hbm>>
      tpu.enqueue_dma source(%arg8 : memref<8x2x8x128xf32, #tpu.memory_space<vmem>>) target(%dma_start3A_202 : memref<8x2x8x128xf32, #tpu.memory_space<hbm>>) target_semaphore(%arg12 : memref<!tpu.dma_semaphore, #tpu.memory_space<semaphore_mem>>)
      %lt3A_203 = arith.constant 98 : i32
      %lt3A_204 = arith.cmpi slt, %mul3A_129, %lt3A_203 : i32
      %convert_element_type3A_205 = arith.extui %lt3A_204 : i1 to i32
      %cond3A_206 = arith.constant 0 : i32
      %cond3A_207 = arith.cmpi ne, %convert_element_type3A_205, %cond3A_206 : i32
      scf.if %cond3A_207 {
        %add3A_301 = arith.constant 2 : i32
        %add3A_302 = arith.addi %mul3A_129, %add3A_301 : i32
        %jit3A_303 = arith.constant 2 : i32
        %div3A_304 = arith.divsi %add3A_302, %jit3A_303 : i32
        %sign3A_305 = arith.constant 0 : i32
        %sign3A_306 = arith.cmpi sgt, %add3A_302, %sign3A_305 : i32
        %sign3A_307 = arith.extui %sign3A_306 : i1 to i32
        %sign3A_308 = arith.constant 0 : i32
        %sign3A_309 = arith.cmpi slt, %add3A_302, %sign3A_308 : i32
        %sign3A_310 = arith.extui %sign3A_309 : i1 to i32
        %sign3A_311 = arith.subi %sign3A_307, %sign3A_310 : i32
        %sign3A_312 = arith.constant 0 : i32
        %sign3A_313 = arith.cmpi sgt, %jit3A_303, %sign3A_312 : i32
        %sign3A_314 = arith.extui %sign3A_313 : i1 to i32
        %sign3A_315 = arith.constant 0 : i32
        %sign3A_316 = arith.cmpi slt, %jit3A_303, %sign3A_315 : i32
        %sign3A_317 = arith.extui %sign3A_316 : i1 to i32
        %sign3A_318 = arith.subi %sign3A_314, %sign3A_317 : i32
        %ne3A_319 = arith.cmpi ne, %sign3A_311, %sign3A_318 : i32
        %rem3A_320 = arith.remsi %add3A_302, %jit3A_303 : i32
        %ne3A_321 = arith.constant 0 : i32
        %ne3A_322 = arith.cmpi ne, %rem3A_320, %ne3A_321 : i32
        %and3A_323 = arith.andi %ne3A_319, %ne3A_322 : i1
        %sub3A_324 = arith.constant 1 : i32
        %sub3A_325 = arith.subi %div3A_304, %sub3A_324 : i32
        %select_n3A_326 = arith.select %and3A_323, %sub3A_325, %div3A_304 : i32
        %jit3A_327 = arith.constant 2 : i32
        %eq3A_328 = arith.constant 0 : i32
        %eq3A_329 = arith.cmpi eq, %jit3A_327, %eq3A_328 : i32
        %jit3A_330 = arith.constant 1 : i32
        %select_n3A_331 = arith.select %eq3A_329, %jit3A_330, %jit3A_327 : i32
        %rem3A_332 = arith.remsi %add3A_302, %select_n3A_331 : i32
        %ne3A_333 = arith.constant 0 : i32
        %ne3A_334 = arith.cmpi ne, %rem3A_332, %ne3A_333 : i32
        %lt3A_335 = arith.constant 0 : i32
        %lt3A_336 = arith.cmpi slt, %rem3A_332, %lt3A_335 : i32
        %lt3A_337 = arith.constant 0 : i32
        %lt3A_338 = arith.cmpi slt, %select_n3A_331, %lt3A_337 : i32
        %ne3A_339 = arith.xori %lt3A_336, %lt3A_338 : i1
        %and3A_340 = arith.andi %ne3A_339, %ne3A_334 : i1
        %add3A_341 = arith.addi %rem3A_332, %select_n3A_331 : i32
        %select_n3A_342 = arith.select %and3A_340, %add3A_341, %rem3A_332 : i32
        %mul3A_343 = arith.constant 256 : i32
        %mul3A_344 = arith.muli %select_n3A_342, %mul3A_343 : i32
        %add3A_345 = arith.constant 0 : i32
        %add3A_346 = arith.addi %mul3A_344, %add3A_345 : i32
        %dma_start3A_347 = arith.constant 0 : i32
        %dma_start3A_348 = arith.constant 0 : i32
        %dma_start3A_349 = tpu.memref_slice %arg6[%dma_start3A_347, %dma_start3A_348] : memref<256x64xf32, #tpu.memory_space<vmem>> -> memref<128x64xf32, #tpu.memory_space<vmem>>
        %dma_start3A_350 = tpu.memref_slice %arg5[%select_n3A_326, %add3A_346] : memref<50x512xi32, #tpu.memory_space<vmem>> -> memref<1x128xi32, #tpu.memory_space<vmem>>
        %dma_start3A_351 = tpu.memref_squeeze %dma_start3A_350 : memref<1x128xi32, #tpu.memory_space<vmem>> -> memref<128xi32, #tpu.memory_space<vmem>>
        %dma_start3A_352 = arith.constant 0 : i32
        %dma_start3A_353 = arith.constant 0 : i32
        %dma_start3A_354 = tpu.memref_slice %arg2[%dma_start3A_352, %dma_start3A_353] : memref<1000x64xf32, #tpu.memory_space<hbm>> -> memref<1000x64xf32, #tpu.memory_space<hbm>>
        tpu.enqueue_indirect_dma source(%dma_start3A_354 : memref<1000x64xf32, #tpu.memory_space<hbm>>) target(%dma_start3A_349 : memref<128x64xf32, #tpu.memory_space<vmem>>) offsets(%dma_start3A_351 : memref<128xi32, #tpu.memory_space<vmem>>) semaphore(%arg10 : memref<!tpu.dma_semaphore, #tpu.memory_space<semaphore_mem>>)
        %mul3A_355 = arith.constant 256 : i32
        %mul3A_356 = arith.muli %select_n3A_342, %mul3A_355 : i32
        %add3A_357 = arith.constant 128 : i32
        %add3A_358 = arith.addi %mul3A_356, %add3A_357 : i32
        %dma_start3A_359 = arith.constant 128 : i32
        %dma_start3A_360 = arith.constant 0 : i32
        %dma_start3A_361 = tpu.memref_slice %arg6[%dma_start3A_359, %dma_start3A_360] : memref<256x64xf32, #tpu.memory_space<vmem>> -> memref<128x64xf32, #tpu.memory_space<vmem>>
        %dma_start3A_362 = tpu.memref_slice %arg5[%select_n3A_326, %add3A_358] : memref<50x512xi32, #tpu.memory_space<vmem>> -> memref<1x128xi32, #tpu.memory_space<vmem>>
        %dma_start3A_363 = tpu.memref_squeeze %dma_start3A_362 : memref<1x128xi32, #tpu.memory_space<vmem>> -> memref<128xi32, #tpu.memory_space<vmem>>
        %dma_start3A_364 = arith.constant 0 : i32
        %dma_start3A_365 = arith.constant 0 : i32
        %dma_start3A_366 = tpu.memref_slice %arg2[%dma_start3A_364, %dma_start3A_365] : memref<1000x64xf32, #tpu.memory_space<hbm>> -> memref<1000x64xf32, #tpu.memory_space<hbm>>
        tpu.enqueue_indirect_dma source(%dma_start3A_366 : memref<1000x64xf32, #tpu.memory_space<hbm>>) target(%dma_start3A_361 : memref<128x64xf32, #tpu.memory_space<vmem>>) offsets(%dma_start3A_363 : memref<128xi32, #tpu.memory_space<vmem>>) semaphore(%arg10 : memref<!tpu.dma_semaphore, #tpu.memory_space<semaphore_mem>>)
      } else {
      }
      %add3A_208 = arith.constant 1 : i32
      %add3A_209 = arith.addi %mul3A_129, %add3A_208 : i32
      %gt3A_210 = arith.constant 0 : i32
      %gt3A_211 = arith.cmpi sgt, %scan3A_127, %gt3A_210 : i32
      %convert_element_type3A_212 = arith.extui %gt3A_211 : i1 to i32
      %cond3A_213 = arith.constant 0 : i32
      %cond3A_214 = arith.cmpi ne, %convert_element_type3A_212, %cond3A_213 : i32
      scf.if %cond3A_214 {
        %sub3A_301 = arith.constant 2 : i32
        %sub3A_302 = arith.subi %add3A_209, %sub3A_301 : i32
        %jit3A_303 = arith.constant 2 : i32
        %div3A_304 = arith.divsi %sub3A_302, %jit3A_303 : i32
        %sign3A_305 = arith.constant 0 : i32
        %sign3A_306 = arith.cmpi sgt, %sub3A_302, %sign3A_305 : i32
        %sign3A_307 = arith.extui %sign3A_306 : i1 to i32
        %sign3A_308 = arith.constant 0 : i32
        %sign3A_309 = arith.cmpi slt, %sub3A_302, %sign3A_308 : i32
        %sign3A_310 = arith.extui %sign3A_309 : i1 to i32
        %sign3A_311 = arith.subi %sign3A_307, %sign3A_310 : i32
        %sign3A_312 = arith.constant 0 : i32
        %sign3A_313 = arith.cmpi sgt, %jit3A_303, %sign3A_312 : i32
        %sign3A_314 = arith.extui %sign3A_313 : i1 to i32
        %sign3A_315 = arith.constant 0 : i32
        %sign3A_316 = arith.cmpi slt, %jit3A_303, %sign3A_315 : i32
        %sign3A_317 = arith.extui %sign3A_316 : i1 to i32
        %sign3A_318 = arith.subi %sign3A_314, %sign3A_317 : i32
        %ne3A_319 = arith.cmpi ne, %sign3A_311, %sign3A_318 : i32
        %rem3A_320 = arith.remsi %sub3A_302, %jit3A_303 : i32
        %ne3A_321 = arith.constant 0 : i32
        %ne3A_322 = arith.cmpi ne, %rem3A_320, %ne3A_321 : i32
        %and3A_323 = arith.andi %ne3A_319, %ne3A_322 : i1
        %sub3A_324 = arith.constant 1 : i32
        %sub3A_325 = arith.subi %div3A_304, %sub3A_324 : i32
        %select_n3A_326 = arith.select %and3A_323, %sub3A_325, %div3A_304 : i32
        %jit3A_327 = arith.constant 2 : i32
        %eq3A_328 = arith.constant 0 : i32
        %eq3A_329 = arith.cmpi eq, %jit3A_327, %eq3A_328 : i32
        %jit3A_330 = arith.constant 1 : i32
        %select_n3A_331 = arith.select %eq3A_329, %jit3A_330, %jit3A_327 : i32
        %rem3A_332 = arith.remsi %sub3A_302, %select_n3A_331 : i32
        %ne3A_333 = arith.constant 0 : i32
        %ne3A_334 = arith.cmpi ne, %rem3A_332, %ne3A_333 : i32
        %lt3A_335 = arith.constant 0 : i32
        %lt3A_336 = arith.cmpi slt, %rem3A_332, %lt3A_335 : i32
        %lt3A_337 = arith.constant 0 : i32
        %lt3A_338 = arith.cmpi slt, %select_n3A_331, %lt3A_337 : i32
        %ne3A_339 = arith.xori %lt3A_336, %lt3A_338 : i1
        %and3A_340 = arith.andi %ne3A_339, %ne3A_334 : i1
        %add3A_341 = arith.addi %rem3A_332, %select_n3A_331 : i32
        %select_n3A_342 = arith.select %and3A_340, %add3A_341, %rem3A_332 : i32
        %mul3A_343 = arith.constant 4 : i32
        %mul3A_344 = arith.muli %add3A, %mul3A_343 : i32
        %mul3A_345 = arith.constant 2 : i32
        %mul3A_346 = arith.muli %select_n3A_342, %mul3A_345 : i32
        %add3A_347 = arith.addi %mul3A_344, %mul3A_346 : i32
        %dma_wait3A_348 = arith.constant 0 : i32
        %dma_wait3A_349 = arith.constant 0 : i32
        %dma_wait3A_350 = arith.constant 0 : i32
        %dma_wait3A_351 = tpu.memref_slice %arg4[%select_n3A_326, %dma_wait3A_348, %add3A_347, %dma_wait3A_349, %dma_wait3A_350] : memref<50x8x128x8x128xf32, #tpu.memory_space<hbm>> -> memref<1x8x2x8x128xf32, #tpu.memory_space<hbm>>
        %dma_wait3A_352 = tpu.memref_squeeze %dma_wait3A_351 : memref<1x8x2x8x128xf32, #tpu.memory_space<hbm>> -> memref<8x2x8x128xf32, #tpu.memory_space<hbm>>
        %dma_wait3A_353 = arith.constant 0 : i32
        %dma_wait3A_354 = arith.constant 0 : i32
        %dma_wait3A_355 = arith.constant 0 : i32
        %dma_wait3A_356 = tpu.memref_slice %arg4[%select_n3A_326, %dma_wait3A_353, %add3A_347, %dma_wait3A_354, %dma_wait3A_355] : memref<50x8x128x8x128xf32, #tpu.memory_space<hbm>> -> memref<1x8x2x8x128xf32, #tpu.memory_space<hbm>>
        %dma_wait3A_357 = tpu.memref_squeeze %dma_wait3A_356 : memref<1x8x2x8x128xf32, #tpu.memory_space<hbm>> -> memref<8x2x8x128xf32, #tpu.memory_space<hbm>>
        tpu.wait_dma2 semaphore(%arg13 : memref<!tpu.dma_semaphore, #tpu.memory_space<semaphore_mem>>) src(%arg9 : memref<8x2x8x128xf32, #tpu.memory_space<vmem>>) dst(%dma_wait3A_357 : memref<8x2x8x128xf32, #tpu.memory_space<hbm>>)
      } else {
      }
      %dma_wait3A_215 = arith.constant 0 : i32
      %dma_wait3A_216 = arith.constant 0 : i32
      %dma_wait3A_217 = arith.constant 0 : i32
      %dma_wait3A_218 = tpu.memref_slice %arg7[%dma_wait3A_216, %dma_wait3A_217] : memref<256x64xf32, #tpu.memory_space<vmem>> -> memref<128x64xf32, #tpu.memory_space<vmem>>
      %dma_wait3A_219 = arith.constant 0 : i32
      %dma_wait3A_220 = tpu.memref_slice %arg5[%dma_wait3A_215, %dma_wait3A_219] : memref<50x512xi32, #tpu.memory_space<vmem>> -> memref<1x128xi32, #tpu.memory_space<vmem>>
      %dma_wait3A_221 = tpu.memref_squeeze %dma_wait3A_220 : memref<1x128xi32, #tpu.memory_space<vmem>> -> memref<128xi32, #tpu.memory_space<vmem>>
      %dma_wait3A_222 = arith.constant 0 : i32
      %dma_wait3A_223 = arith.constant 0 : i32
      %dma_wait3A_224 = tpu.memref_slice %arg2[%dma_wait3A_222, %dma_wait3A_223] : memref<1000x64xf32, #tpu.memory_space<hbm>> -> memref<1000x64xf32, #tpu.memory_space<hbm>>
      tpu.wait_indirect_dma semaphore(%arg11 : memref<!tpu.dma_semaphore, #tpu.memory_space<semaphore_mem>>) src(%dma_wait3A_224 : memref<1000x64xf32, #tpu.memory_space<hbm>>) dst(%dma_wait3A_218 : memref<128x64xf32, #tpu.memory_space<vmem>>)
      %dma_wait3A_225 = arith.constant 0 : i32
      %dma_wait3A_226 = arith.constant 128 : i32
      %dma_wait3A_227 = arith.constant 0 : i32
      %dma_wait3A_228 = tpu.memref_slice %arg7[%dma_wait3A_226, %dma_wait3A_227] : memref<256x64xf32, #tpu.memory_space<vmem>> -> memref<128x64xf32, #tpu.memory_space<vmem>>
      %dma_wait3A_229 = arith.constant 0 : i32
      %dma_wait3A_230 = tpu.memref_slice %arg5[%dma_wait3A_225, %dma_wait3A_229] : memref<50x512xi32, #tpu.memory_space<vmem>> -> memref<1x128xi32, #tpu.memory_space<vmem>>
      %dma_wait3A_231 = tpu.memref_squeeze %dma_wait3A_230 : memref<1x128xi32, #tpu.memory_space<vmem>> -> memref<128xi32, #tpu.memory_space<vmem>>
      %dma_wait3A_232 = arith.constant 0 : i32
      %dma_wait3A_233 = arith.constant 0 : i32
      %dma_wait3A_234 = tpu.memref_slice %arg2[%dma_wait3A_232, %dma_wait3A_233] : memref<1000x64xf32, #tpu.memory_space<hbm>> -> memref<1000x64xf32, #tpu.memory_space<hbm>>
      tpu.wait_indirect_dma semaphore(%arg11 : memref<!tpu.dma_semaphore, #tpu.memory_space<semaphore_mem>>) src(%dma_wait3A_234 : memref<1000x64xf32, #tpu.memory_space<hbm>>) dst(%dma_wait3A_228 : memref<128x64xf32, #tpu.memory_space<vmem>>)
      %scan3A_235 = arith.constant 0 : i32
      %scan3A_236 = arith.constant 0 : i32
      %scan3A_237 = arith.constant 16 : i32
      %scan3A_238 = arith.addi %scan3A_236, %scan3A_237 : i32
      %scan3A_239 = arith.constant 1 : i32
      scf.for %scan3A_301 = %scan3A_236 to %scan3A_238 step %scan3A_239  : i32 {
        %add3A_302 = vector.broadcast %scan3A_301 : i32 to vector<16xi32>
        %add3A_303 = arith.addi %iota3A, %add3A_302 : vector<16xi32>
        %and3A_304 = arith.constant 15 : i32
        %and3A_305 = vector.broadcast %and3A_304 : i32 to vector<16xi32>
        %and3A_306 = arith.andi %add3A_303, %and3A_305 : vector<16xi32>
        %add3A_307 = arith.constant 0 : i32
        %add3A_308 = vector.broadcast %add3A_307 : i32 to vector<16xi32>
        %add3A_309 = arith.addi %and3A_306, %add3A_308 : vector<16xi32>
        %shift_right_arithmetic3A = arith.constant 3 : i32
        %shift_right_arithmetic3A_310 = vector.broadcast %shift_right_arithmetic3A : i32 to vector<16xi32>
        %shift_right_arithmetic3A_311 = arith.shrsi %add3A_309, %shift_right_arithmetic3A_310 : vector<16xi32>
        %and3A_312 = arith.constant 7 : i32
        %and3A_313 = vector.broadcast %and3A_312 : i32 to vector<16xi32>
        %and3A_314 = arith.andi %add3A_309, %and3A_313 : vector<16xi32>
        %gather3A = tpu.vector_load_idx %arg7[%add3A_5, %add3A_309] : memref<256x64xf32, #tpu.memory_space<vmem>>[vector<16xi32>, vector<16xi32>], vector<16xf32>,
        %gather3A_315 = tpu.vector_load_idx %arg7[%add3A_8, %add3A_309] : memref<256x64xf32, #tpu.memory_space<vmem>>[vector<16xi32>, vector<16xi32>], vector<16xf32>,
        %gather3A_316 = tpu.vector_load_idx %arg7[%add3A_11, %add3A_309] : memref<256x64xf32, #tpu.memory_space<vmem>>[vector<16xi32>, vector<16xi32>], vector<16xf32>,
        %gather3A_317 = tpu.vector_load_idx %arg7[%add3A_14, %add3A_309] : memref<256x64xf32, #tpu.memory_space<vmem>>[vector<16xi32>, vector<16xi32>], vector<16xf32>,
        %gather3A_318 = tpu.vector_load_idx %arg7[%add3A_17, %add3A_309] : memref<256x64xf32, #tpu.memory_space<vmem>>[vector<16xi32>, vector<16xi32>], vector<16xf32>,
        %gather3A_319 = tpu.vector_load_idx %arg7[%add3A_20, %add3A_309] : memref<256x64xf32, #tpu.memory_space<vmem>>[vector<16xi32>, vector<16xi32>], vector<16xf32>,
        %gather3A_320 = tpu.vector_load_idx %arg7[%add3A_23, %add3A_309] : memref<256x64xf32, #tpu.memory_space<vmem>>[vector<16xi32>, vector<16xi32>], vector<16xf32>,
        %gather3A_321 = tpu.vector_load_idx %arg7[%add3A_26, %add3A_309] : memref<256x64xf32, #tpu.memory_space<vmem>>[vector<16xi32>, vector<16xi32>], vector<16xf32>,
        %gather3A_322 = tpu.vector_load_idx %arg7[%add3A_29, %add3A_309] : memref<256x64xf32, #tpu.memory_space<vmem>>[vector<16xi32>, vector<16xi32>], vector<16xf32>,
        %gather3A_323 = tpu.vector_load_idx %arg7[%add3A_32, %add3A_309] : memref<256x64xf32, #tpu.memory_space<vmem>>[vector<16xi32>, vector<16xi32>], vector<16xf32>,
        %gather3A_324 = tpu.vector_load_idx %arg7[%add3A_35, %add3A_309] : memref<256x64xf32, #tpu.memory_space<vmem>>[vector<16xi32>, vector<16xi32>], vector<16xf32>,
        %gather3A_325 = tpu.vector_load_idx %arg7[%add3A_38, %add3A_309] : memref<256x64xf32, #tpu.memory_space<vmem>>[vector<16xi32>, vector<16xi32>], vector<16xf32>,
        %gather3A_326 = tpu.vector_load_idx %arg7[%add3A_41, %add3A_309] : memref<256x64xf32, #tpu.memory_space<vmem>>[vector<16xi32>, vector<16xi32>], vector<16xf32>,
        %gather3A_327 = tpu.vector_load_idx %arg7[%add3A_44, %add3A_309] : memref<256x64xf32, #tpu.memory_space<vmem>>[vector<16xi32>, vector<16xi32>], vector<16xf32>,
        %gather3A_328 = tpu.vector_load_idx %arg7[%add3A_47, %add3A_309] : memref<256x64xf32, #tpu.memory_space<vmem>>[vector<16xi32>, vector<16xi32>], vector<16xf32>,
        %gather3A_329 = tpu.vector_load_idx %arg7[%add3A_50, %add3A_309] : memref<256x64xf32, #tpu.memory_space<vmem>>[vector<16xi32>, vector<16xi32>], vector<16xf32>,
        tpu.vector_store_idx %arg9[%shift_right_arithmetic3A_311, %broadcast_in_dim3A_51, %and3A_314, %add3A_5], %gather3A : memref<8x2x8x128xf32, #tpu.memory_space<vmem>>[vector<16xi32>, vector<16xi32>, vector<16xi32>, vector<16xi32>], vector<16xf32>,
        tpu.vector_store_idx %arg9[%shift_right_arithmetic3A_311, %broadcast_in_dim3A_51, %and3A_314, %add3A_8], %gather3A_315 : memref<8x2x8x128xf32, #tpu.memory_space<vmem>>[vector<16xi32>, vector<16xi32>, vector<16xi32>, vector<16xi32>], vector<16xf32>,
        tpu.vector_store_idx %arg9[%shift_right_arithmetic3A_311, %broadcast_in_dim3A_51, %and3A_314, %add3A_11], %gather3A_316 : memref<8x2x8x128xf32, #tpu.memory_space<vmem>>[vector<16xi32>, vector<16xi32>, vector<16xi32>, vector<16xi32>], vector<16xf32>,
        tpu.vector_store_idx %arg9[%shift_right_arithmetic3A_311, %broadcast_in_dim3A_51, %and3A_314, %add3A_14], %gather3A_317 : memref<8x2x8x128xf32, #tpu.memory_space<vmem>>[vector<16xi32>, vector<16xi32>, vector<16xi32>, vector<16xi32>], vector<16xf32>,
        tpu.vector_store_idx %arg9[%shift_right_arithmetic3A_311, %broadcast_in_dim3A_51, %and3A_314, %add3A_17], %gather3A_318 : memref<8x2x8x128xf32, #tpu.memory_space<vmem>>[vector<16xi32>, vector<16xi32>, vector<16xi32>, vector<16xi32>], vector<16xf32>,
        tpu.vector_store_idx %arg9[%shift_right_arithmetic3A_311, %broadcast_in_dim3A_51, %and3A_314, %add3A_20], %gather3A_319 : memref<8x2x8x128xf32, #tpu.memory_space<vmem>>[vector<16xi32>, vector<16xi32>, vector<16xi32>, vector<16xi32>], vector<16xf32>,
        tpu.vector_store_idx %arg9[%shift_right_arithmetic3A_311, %broadcast_in_dim3A_51, %and3A_314, %add3A_23], %gather3A_320 : memref<8x2x8x128xf32, #tpu.memory_space<vmem>>[vector<16xi32>, vector<16xi32>, vector<16xi32>, vector<16xi32>], vector<16xf32>,
        tpu.vector_store_idx %arg9[%shift_right_arithmetic3A_311, %broadcast_in_dim3A_51, %and3A_314, %add3A_26], %gather3A_321 : memref<8x2x8x128xf32, #tpu.memory_space<vmem>>[vector<16xi32>, vector<16xi32>, vector<16xi32>, vector<16xi32>], vector<16xf32>,
        tpu.vector_store_idx %arg9[%shift_right_arithmetic3A_311, %broadcast_in_dim3A_53, %and3A_314, %add3A_5], %gather3A_322 : memref<8x2x8x128xf32, #tpu.memory_space<vmem>>[vector<16xi32>, vector<16xi32>, vector<16xi32>, vector<16xi32>], vector<16xf32>,
        tpu.vector_store_idx %arg9[%shift_right_arithmetic3A_311, %broadcast_in_dim3A_53, %and3A_314, %add3A_8], %gather3A_323 : memref<8x2x8x128xf32, #tpu.memory_space<vmem>>[vector<16xi32>, vector<16xi32>, vector<16xi32>, vector<16xi32>], vector<16xf32>,
        tpu.vector_store_idx %arg9[%shift_right_arithmetic3A_311, %broadcast_in_dim3A_53, %and3A_314, %add3A_11], %gather3A_324 : memref<8x2x8x128xf32, #tpu.memory_space<vmem>>[vector<16xi32>, vector<16xi32>, vector<16xi32>, vector<16xi32>], vector<16xf32>,
        tpu.vector_store_idx %arg9[%shift_right_arithmetic3A_311, %broadcast_in_dim3A_53, %and3A_314, %add3A_14], %gather3A_325 : memref<8x2x8x128xf32, #tpu.memory_space<vmem>>[vector<16xi32>, vector<16xi32>, vector<16xi32>, vector<16xi32>], vector<16xf32>,
        tpu.vector_store_idx %arg9[%shift_right_arithmetic3A_311, %broadcast_in_dim3A_53, %and3A_314, %add3A_17], %gather3A_326 : memref<8x2x8x128xf32, #tpu.memory_space<vmem>>[vector<16xi32>, vector<16xi32>, vector<16xi32>, vector<16xi32>], vector<16xf32>,
        tpu.vector_store_idx %arg9[%shift_right_arithmetic3A_311, %broadcast_in_dim3A_53, %and3A_314, %add3A_20], %gather3A_327 : memref<8x2x8x128xf32, #tpu.memory_space<vmem>>[vector<16xi32>, vector<16xi32>, vector<16xi32>, vector<16xi32>], vector<16xf32>,
        tpu.vector_store_idx %arg9[%shift_right_arithmetic3A_311, %broadcast_in_dim3A_53, %and3A_314, %add3A_23], %gather3A_328 : memref<8x2x8x128xf32, #tpu.memory_space<vmem>>[vector<16xi32>, vector<16xi32>, vector<16xi32>, vector<16xi32>], vector<16xf32>,
        tpu.vector_store_idx %arg9[%shift_right_arithmetic3A_311, %broadcast_in_dim3A_53, %and3A_314, %add3A_26], %gather3A_329 : memref<8x2x8x128xf32, #tpu.memory_space<vmem>>[vector<16xi32>, vector<16xi32>, vector<16xi32>, vector<16xi32>], vector<16xf32>,
        %add3A_330 = arith.constant 16 : i32
        %add3A_331 = vector.broadcast %add3A_330 : i32 to vector<16xi32>
        %add3A_332 = arith.addi %and3A_306, %add3A_331 : vector<16xi32>
        %shift_right_arithmetic3A_333 = arith.constant 3 : i32
        %shift_right_arithmetic3A_334 = vector.broadcast %shift_right_arithmetic3A_333 : i32 to vector<16xi32>
        %shift_right_arithmetic3A_335 = arith.shrsi %add3A_332, %shift_right_arithmetic3A_334 : vector<16xi32>
        %and3A_336 = arith.constant 7 : i32
        %and3A_337 = vector.broadcast %and3A_336 : i32 to vector<16xi32>
        %and3A_338 = arith.andi %add3A_332, %and3A_337 : vector<16xi32>
        %gather3A_339 = tpu.vector_load_idx %arg7[%add3A_5, %add3A_332] : memref<256x64xf32, #tpu.memory_space<vmem>>[vector<16xi32>, vector<16xi32>], vector<16xf32>,
        %gather3A_340 = tpu.vector_load_idx %arg7[%add3A_8, %add3A_332] : memref<256x64xf32, #tpu.memory_space<vmem>>[vector<16xi32>, vector<16xi32>], vector<16xf32>,
        %gather3A_341 = tpu.vector_load_idx %arg7[%add3A_11, %add3A_332] : memref<256x64xf32, #tpu.memory_space<vmem>>[vector<16xi32>, vector<16xi32>], vector<16xf32>,
        %gather3A_342 = tpu.vector_load_idx %arg7[%add3A_14, %add3A_332] : memref<256x64xf32, #tpu.memory_space<vmem>>[vector<16xi32>, vector<16xi32>], vector<16xf32>,
        %gather3A_343 = tpu.vector_load_idx %arg7[%add3A_17, %add3A_332] : memref<256x64xf32, #tpu.memory_space<vmem>>[vector<16xi32>, vector<16xi32>], vector<16xf32>,
        %gather3A_344 = tpu.vector_load_idx %arg7[%add3A_20, %add3A_332] : memref<256x64xf32, #tpu.memory_space<vmem>>[vector<16xi32>, vector<16xi32>], vector<16xf32>,
        %gather3A_345 = tpu.vector_load_idx %arg7[%add3A_23, %add3A_332] : memref<256x64xf32, #tpu.memory_space<vmem>>[vector<16xi32>, vector<16xi32>], vector<16xf32>,
        %gather3A_346 = tpu.vector_load_idx %arg7[%add3A_26, %add3A_332] : memref<256x64xf32, #tpu.memory_space<vmem>>[vector<16xi32>, vector<16xi32>], vector<16xf32>,
        %gather3A_347 = tpu.vector_load_idx %arg7[%add3A_29, %add3A_332] : memref<256x64xf32, #tpu.memory_space<vmem>>[vector<16xi32>, vector<16xi32>], vector<16xf32>,
        %gather3A_348 = tpu.vector_load_idx %arg7[%add3A_32, %add3A_332] : memref<256x64xf32, #tpu.memory_space<vmem>>[vector<16xi32>, vector<16xi32>], vector<16xf32>,
        %gather3A_349 = tpu.vector_load_idx %arg7[%add3A_35, %add3A_332] : memref<256x64xf32, #tpu.memory_space<vmem>>[vector<16xi32>, vector<16xi32>], vector<16xf32>,
        %gather3A_350 = tpu.vector_load_idx %arg7[%add3A_38, %add3A_332] : memref<256x64xf32, #tpu.memory_space<vmem>>[vector<16xi32>, vector<16xi32>], vector<16xf32>,
        %gather3A_351 = tpu.vector_load_idx %arg7[%add3A_41, %add3A_332] : memref<256x64xf32, #tpu.memory_space<vmem>>[vector<16xi32>, vector<16xi32>], vector<16xf32>,
        %gather3A_352 = tpu.vector_load_idx %arg7[%add3A_44, %add3A_332] : memref<256x64xf32, #tpu.memory_space<vmem>>[vector<16xi32>, vector<16xi32>], vector<16xf32>,
        %gather3A_353 = tpu.vector_load_idx %arg7[%add3A_47, %add3A_332] : memref<256x64xf32, #tpu.memory_space<vmem>>[vector<16xi32>, vector<16xi32>], vector<16xf32>,
        %gather3A_354 = tpu.vector_load_idx %arg7[%add3A_50, %add3A_332] : memref<256x64xf32, #tpu.memory_space<vmem>>[vector<16xi32>, vector<16xi32>], vector<16xf32>,
        tpu.vector_store_idx %arg9[%shift_right_arithmetic3A_335, %broadcast_in_dim3A_51, %and3A_338, %add3A_5], %gather3A_339 : memref<8x2x8x128xf32, #tpu.memory_space<vmem>>[vector<16xi32>, vector<16xi32>, vector<16xi32>, vector<16xi32>], vector<16xf32>,
        tpu.vector_store_idx %arg9[%shift_right_arithmetic3A_335, %broadcast_in_dim3A_51, %and3A_338, %add3A_8], %gather3A_340 : memref<8x2x8x128xf32, #tpu.memory_space<vmem>>[vector<16xi32>, vector<16xi32>, vector<16xi32>, vector<16xi32>], vector<16xf32>,
        tpu.vector_store_idx %arg9[%shift_right_arithmetic3A_335, %broadcast_in_dim3A_51, %and3A_338, %add3A_11], %gather3A_341 : memref<8x2x8x128xf32, #tpu.memory_space<vmem>>[vector<16xi32>, vector<16xi32>, vector<16xi32>, vector<16xi32>], vector<16xf32>,
        tpu.vector_store_idx %arg9[%shift_right_arithmetic3A_335, %broadcast_in_dim3A_51, %and3A_338, %add3A_14], %gather3A_342 : memref<8x2x8x128xf32, #tpu.memory_space<vmem>>[vector<16xi32>, vector<16xi32>, vector<16xi32>, vector<16xi32>], vector<16xf32>,
        tpu.vector_store_idx %arg9[%shift_right_arithmetic3A_335, %broadcast_in_dim3A_51, %and3A_338, %add3A_17], %gather3A_343 : memref<8x2x8x128xf32, #tpu.memory_space<vmem>>[vector<16xi32>, vector<16xi32>, vector<16xi32>, vector<16xi32>], vector<16xf32>,
        tpu.vector_store_idx %arg9[%shift_right_arithmetic3A_335, %broadcast_in_dim3A_51, %and3A_338, %add3A_20], %gather3A_344 : memref<8x2x8x128xf32, #tpu.memory_space<vmem>>[vector<16xi32>, vector<16xi32>, vector<16xi32>, vector<16xi32>], vector<16xf32>,
        tpu.vector_store_idx %arg9[%shift_right_arithmetic3A_335, %broadcast_in_dim3A_51, %and3A_338, %add3A_23], %gather3A_345 : memref<8x2x8x128xf32, #tpu.memory_space<vmem>>[vector<16xi32>, vector<16xi32>, vector<16xi32>, vector<16xi32>], vector<16xf32>,
        tpu.vector_store_idx %arg9[%shift_right_arithmetic3A_335, %broadcast_in_dim3A_51, %and3A_338, %add3A_26], %gather3A_346 : memref<8x2x8x128xf32, #tpu.memory_space<vmem>>[vector<16xi32>, vector<16xi32>, vector<16xi32>, vector<16xi32>], vector<16xf32>,
        tpu.vector_store_idx %arg9[%shift_right_arithmetic3A_335, %broadcast_in_dim3A_53, %and3A_338, %add3A_5], %gather3A_347 : memref<8x2x8x128xf32, #tpu.memory_space<vmem>>[vector<16xi32>, vector<16xi32>, vector<16xi32>, vector<16xi32>], vector<16xf32>,
        tpu.vector_store_idx %arg9[%shift_right_arithmetic3A_335, %broadcast_in_dim3A_53, %and3A_338, %add3A_8], %gather3A_348 : memref<8x2x8x128xf32, #tpu.memory_space<vmem>>[vector<16xi32>, vector<16xi32>, vector<16xi32>, vector<16xi32>], vector<16xf32>,
        tpu.vector_store_idx %arg9[%shift_right_arithmetic3A_335, %broadcast_in_dim3A_53, %and3A_338, %add3A_11], %gather3A_349 : memref<8x2x8x128xf32, #tpu.memory_space<vmem>>[vector<16xi32>, vector<16xi32>, vector<16xi32>, vector<16xi32>], vector<16xf32>,
        tpu.vector_store_idx %arg9[%shift_right_arithmetic3A_335, %broadcast_in_dim3A_53, %and3A_338, %add3A_14], %gather3A_350 : memref<8x2x8x128xf32, #tpu.memory_space<vmem>>[vector<16xi32>, vector<16xi32>, vector<16xi32>, vector<16xi32>], vector<16xf32>,
        tpu.vector_store_idx %arg9[%shift_right_arithmetic3A_335, %broadcast_in_dim3A_53, %and3A_338, %add3A_17], %gather3A_351 : memref<8x2x8x128xf32, #tpu.memory_space<vmem>>[vector<16xi32>, vector<16xi32>, vector<16xi32>, vector<16xi32>], vector<16xf32>,
        tpu.vector_store_idx %arg9[%shift_right_arithmetic3A_335, %broadcast_in_dim3A_53, %and3A_338, %add3A_20], %gather3A_352 : memref<8x2x8x128xf32, #tpu.memory_space<vmem>>[vector<16xi32>, vector<16xi32>, vector<16xi32>, vector<16xi32>], vector<16xf32>,
        tpu.vector_store_idx %arg9[%shift_right_arithmetic3A_335, %broadcast_in_dim3A_53, %and3A_338, %add3A_23], %gather3A_353 : memref<8x2x8x128xf32, #tpu.memory_space<vmem>>[vector<16xi32>, vector<16xi32>, vector<16xi32>, vector<16xi32>], vector<16xf32>,
        tpu.vector_store_idx %arg9[%shift_right_arithmetic3A_335, %broadcast_in_dim3A_53, %and3A_338, %add3A_26], %gather3A_354 : memref<8x2x8x128xf32, #tpu.memory_space<vmem>>[vector<16xi32>, vector<16xi32>, vector<16xi32>, vector<16xi32>], vector<16xf32>,
        %add3A_355 = arith.constant 32 : i32
        %add3A_356 = vector.broadcast %add3A_355 : i32 to vector<16xi32>
        %add3A_357 = arith.addi %and3A_306, %add3A_356 : vector<16xi32>
        %shift_right_arithmetic3A_358 = arith.constant 3 : i32
        %shift_right_arithmetic3A_359 = vector.broadcast %shift_right_arithmetic3A_358 : i32 to vector<16xi32>
        %shift_right_arithmetic3A_360 = arith.shrsi %add3A_357, %shift_right_arithmetic3A_359 : vector<16xi32>
        %and3A_361 = arith.constant 7 : i32
        %and3A_362 = vector.broadcast %and3A_361 : i32 to vector<16xi32>
        %and3A_363 = arith.andi %add3A_357, %and3A_362 : vector<16xi32>
        %gather3A_364 = tpu.vector_load_idx %arg7[%add3A_5, %add3A_357] : memref<256x64xf32, #tpu.memory_space<vmem>>[vector<16xi32>, vector<16xi32>], vector<16xf32>,
        %gather3A_365 = tpu.vector_load_idx %arg7[%add3A_8, %add3A_357] : memref<256x64xf32, #tpu.memory_space<vmem>>[vector<16xi32>, vector<16xi32>], vector<16xf32>,
        %gather3A_366 = tpu.vector_load_idx %arg7[%add3A_11, %add3A_357] : memref<256x64xf32, #tpu.memory_space<vmem>>[vector<16xi32>, vector<16xi32>], vector<16xf32>,
        %gather3A_367 = tpu.vector_load_idx %arg7[%add3A_14, %add3A_357] : memref<256x64xf32, #tpu.memory_space<vmem>>[vector<16xi32>, vector<16xi32>], vector<16xf32>,
        %gather3A_368 = tpu.vector_load_idx %arg7[%add3A_17, %add3A_357] : memref<256x64xf32, #tpu.memory_space<vmem>>[vector<16xi32>, vector<16xi32>], vector<16xf32>,
        %gather3A_369 = tpu.vector_load_idx %arg7[%add3A_20, %add3A_357] : memref<256x64xf32, #tpu.memory_space<vmem>>[vector<16xi32>, vector<16xi32>], vector<16xf32>,
        %gather3A_370 = tpu.vector_load_idx %arg7[%add3A_23, %add3A_357] : memref<256x64xf32, #tpu.memory_space<vmem>>[vector<16xi32>, vector<16xi32>], vector<16xf32>,
        %gather3A_371 = tpu.vector_load_idx %arg7[%add3A_26, %add3A_357] : memref<256x64xf32, #tpu.memory_space<vmem>>[vector<16xi32>, vector<16xi32>], vector<16xf32>,
        %gather3A_372 = tpu.vector_load_idx %arg7[%add3A_29, %add3A_357] : memref<256x64xf32, #tpu.memory_space<vmem>>[vector<16xi32>, vector<16xi32>], vector<16xf32>,
        %gather3A_373 = tpu.vector_load_idx %arg7[%add3A_32, %add3A_357] : memref<256x64xf32, #tpu.memory_space<vmem>>[vector<16xi32>, vector<16xi32>], vector<16xf32>,
        %gather3A_374 = tpu.vector_load_idx %arg7[%add3A_35, %add3A_357] : memref<256x64xf32, #tpu.memory_space<vmem>>[vector<16xi32>, vector<16xi32>], vector<16xf32>,
        %gather3A_375 = tpu.vector_load_idx %arg7[%add3A_38, %add3A_357] : memref<256x64xf32, #tpu.memory_space<vmem>>[vector<16xi32>, vector<16xi32>], vector<16xf32>,
        %gather3A_376 = tpu.vector_load_idx %arg7[%add3A_41, %add3A_357] : memref<256x64xf32, #tpu.memory_space<vmem>>[vector<16xi32>, vector<16xi32>], vector<16xf32>,
        %gather3A_377 = tpu.vector_load_idx %arg7[%add3A_44, %add3A_357] : memref<256x64xf32, #tpu.memory_space<vmem>>[vector<16xi32>, vector<16xi32>], vector<16xf32>,
        %gather3A_378 = tpu.vector_load_idx %arg7[%add3A_47, %add3A_357] : memref<256x64xf32, #tpu.memory_space<vmem>>[vector<16xi32>, vector<16xi32>], vector<16xf32>,
        %gather3A_379 = tpu.vector_load_idx %arg7[%add3A_50, %add3A_357] : memref<256x64xf32, #tpu.memory_space<vmem>>[vector<16xi32>, vector<16xi32>], vector<16xf32>,
        tpu.vector_store_idx %arg9[%shift_right_arithmetic3A_360, %broadcast_in_dim3A_51, %and3A_363, %add3A_5], %gather3A_364 : memref<8x2x8x128xf32, #tpu.memory_space<vmem>>[vector<16xi32>, vector<16xi32>, vector<16xi32>, vector<16xi32>], vector<16xf32>,
        tpu.vector_store_idx %arg9[%shift_right_arithmetic3A_360, %broadcast_in_dim3A_51, %and3A_363, %add3A_8], %gather3A_365 : memref<8x2x8x128xf32, #tpu.memory_space<vmem>>[vector<16xi32>, vector<16xi32>, vector<16xi32>, vector<16xi32>], vector<16xf32>,
        tpu.vector_store_idx %arg9[%shift_right_arithmetic3A_360, %broadcast_in_dim3A_51, %and3A_363, %add3A_11], %gather3A_366 : memref<8x2x8x128xf32, #tpu.memory_space<vmem>>[vector<16xi32>, vector<16xi32>, vector<16xi32>, vector<16xi32>], vector<16xf32>,
        tpu.vector_store_idx %arg9[%shift_right_arithmetic3A_360, %broadcast_in_dim3A_51, %and3A_363, %add3A_14], %gather3A_367 : memref<8x2x8x128xf32, #tpu.memory_space<vmem>>[vector<16xi32>, vector<16xi32>, vector<16xi32>, vector<16xi32>], vector<16xf32>,
        tpu.vector_store_idx %arg9[%shift_right_arithmetic3A_360, %broadcast_in_dim3A_51, %and3A_363, %add3A_17], %gather3A_368 : memref<8x2x8x128xf32, #tpu.memory_space<vmem>>[vector<16xi32>, vector<16xi32>, vector<16xi32>, vector<16xi32>], vector<16xf32>,
        tpu.vector_store_idx %arg9[%shift_right_arithmetic3A_360, %broadcast_in_dim3A_51, %and3A_363, %add3A_20], %gather3A_369 : memref<8x2x8x128xf32, #tpu.memory_space<vmem>>[vector<16xi32>, vector<16xi32>, vector<16xi32>, vector<16xi32>], vector<16xf32>,
        tpu.vector_store_idx %arg9[%shift_right_arithmetic3A_360, %broadcast_in_dim3A_51, %and3A_363, %add3A_23], %gather3A_370 : memref<8x2x8x128xf32, #tpu.memory_space<vmem>>[vector<16xi32>, vector<16xi32>, vector<16xi32>, vector<16xi32>], vector<16xf32>,
        tpu.vector_store_idx %arg9[%shift_right_arithmetic3A_360, %broadcast_in_dim3A_51, %and3A_363, %add3A_26], %gather3A_371 : memref<8x2x8x128xf32, #tpu.memory_space<vmem>>[vector<16xi32>, vector<16xi32>, vector<16xi32>, vector<16xi32>], vector<16xf32>,
        tpu.vector_store_idx %arg9[%shift_right_arithmetic3A_360, %broadcast_in_dim3A_53, %and3A_363, %add3A_5], %gather3A_372 : memref<8x2x8x128xf32, #tpu.memory_space<vmem>>[vector<16xi32>, vector<16xi32>, vector<16xi32>, vector<16xi32>], vector<16xf32>,
        tpu.vector_store_idx %arg9[%shift_right_arithmetic3A_360, %broadcast_in_dim3A_53, %and3A_363, %add3A_8], %gather3A_373 : memref<8x2x8x128xf32, #tpu.memory_space<vmem>>[vector<16xi32>, vector<16xi32>, vector<16xi32>, vector<16xi32>], vector<16xf32>,
        tpu.vector_store_idx %arg9[%shift_right_arithmetic3A_360, %broadcast_in_dim3A_53, %and3A_363, %add3A_11], %gather3A_374 : memref<8x2x8x128xf32, #tpu.memory_space<vmem>>[vector<16xi32>, vector<16xi32>, vector<16xi32>, vector<16xi32>], vector<16xf32>,
        tpu.vector_store_idx %arg9[%shift_right_arithmetic3A_360, %broadcast_in_dim3A_53, %and3A_363, %add3A_14], %gather3A_375 : memref<8x2x8x128xf32, #tpu.memory_space<vmem>>[vector<16xi32>, vector<16xi32>, vector<16xi32>, vector<16xi32>], vector<16xf32>,
        tpu.vector_store_idx %arg9[%shift_right_arithmetic3A_360, %broadcast_in_dim3A_53, %and3A_363, %add3A_17], %gather3A_376 : memref<8x2x8x128xf32, #tpu.memory_space<vmem>>[vector<16xi32>, vector<16xi32>, vector<16xi32>, vector<16xi32>], vector<16xf32>,
        tpu.vector_store_idx %arg9[%shift_right_arithmetic3A_360, %broadcast_in_dim3A_53, %and3A_363, %add3A_20], %gather3A_377 : memref<8x2x8x128xf32, #tpu.memory_space<vmem>>[vector<16xi32>, vector<16xi32>, vector<16xi32>, vector<16xi32>], vector<16xf32>,
        tpu.vector_store_idx %arg9[%shift_right_arithmetic3A_360, %broadcast_in_dim3A_53, %and3A_363, %add3A_23], %gather3A_378 : memref<8x2x8x128xf32, #tpu.memory_space<vmem>>[vector<16xi32>, vector<16xi32>, vector<16xi32>, vector<16xi32>], vector<16xf32>,
        tpu.vector_store_idx %arg9[%shift_right_arithmetic3A_360, %broadcast_in_dim3A_53, %and3A_363, %add3A_26], %gather3A_379 : memref<8x2x8x128xf32, #tpu.memory_space<vmem>>[vector<16xi32>, vector<16xi32>, vector<16xi32>, vector<16xi32>], vector<16xf32>,
        %add3A_380 = arith.constant 48 : i32
        %add3A_381 = vector.broadcast %add3A_380 : i32 to vector<16xi32>
        %add3A_382 = arith.addi %and3A_306, %add3A_381 : vector<16xi32>
        %shift_right_arithmetic3A_383 = arith.constant 3 : i32
        %shift_right_arithmetic3A_384 = vector.broadcast %shift_right_arithmetic3A_383 : i32 to vector<16xi32>
        %shift_right_arithmetic3A_385 = arith.shrsi %add3A_382, %shift_right_arithmetic3A_384 : vector<16xi32>
        %and3A_386 = arith.constant 7 : i32
        %and3A_387 = vector.broadcast %and3A_386 : i32 to vector<16xi32>
        %and3A_388 = arith.andi %add3A_382, %and3A_387 : vector<16xi32>
        %gather3A_389 = tpu.vector_load_idx %arg7[%add3A_5, %add3A_382] : memref<256x64xf32, #tpu.memory_space<vmem>>[vector<16xi32>, vector<16xi32>], vector<16xf32>,
        %gather3A_390 = tpu.vector_load_idx %arg7[%add3A_8, %add3A_382] : memref<256x64xf32, #tpu.memory_space<vmem>>[vector<16xi32>, vector<16xi32>], vector<16xf32>,
        %gather3A_391 = tpu.vector_load_idx %arg7[%add3A_11, %add3A_382] : memref<256x64xf32, #tpu.memory_space<vmem>>[vector<16xi32>, vector<16xi32>], vector<16xf32>,
        %gather3A_392 = tpu.vector_load_idx %arg7[%add3A_14, %add3A_382] : memref<256x64xf32, #tpu.memory_space<vmem>>[vector<16xi32>, vector<16xi32>], vector<16xf32>,
        %gather3A_393 = tpu.vector_load_idx %arg7[%add3A_17, %add3A_382] : memref<256x64xf32, #tpu.memory_space<vmem>>[vector<16xi32>, vector<16xi32>], vector<16xf32>,
        %gather3A_394 = tpu.vector_load_idx %arg7[%add3A_20, %add3A_382] : memref<256x64xf32, #tpu.memory_space<vmem>>[vector<16xi32>, vector<16xi32>], vector<16xf32>,
        %gather3A_395 = tpu.vector_load_idx %arg7[%add3A_23, %add3A_382] : memref<256x64xf32, #tpu.memory_space<vmem>>[vector<16xi32>, vector<16xi32>], vector<16xf32>,
        %gather3A_396 = tpu.vector_load_idx %arg7[%add3A_26, %add3A_382] : memref<256x64xf32, #tpu.memory_space<vmem>>[vector<16xi32>, vector<16xi32>], vector<16xf32>,
        %gather3A_397 = tpu.vector_load_idx %arg7[%add3A_29, %add3A_382] : memref<256x64xf32, #tpu.memory_space<vmem>>[vector<16xi32>, vector<16xi32>], vector<16xf32>,
        %gather3A_398 = tpu.vector_load_idx %arg7[%add3A_32, %add3A_382] : memref<256x64xf32, #tpu.memory_space<vmem>>[vector<16xi32>, vector<16xi32>], vector<16xf32>,
        %gather3A_399 = tpu.vector_load_idx %arg7[%add3A_35, %add3A_382] : memref<256x64xf32, #tpu.memory_space<vmem>>[vector<16xi32>, vector<16xi32>], vector<16xf32>,
        %gather3A_400 = tpu.vector_load_idx %arg7[%add3A_38, %add3A_382] : memref<256x64xf32, #tpu.memory_space<vmem>>[vector<16xi32>, vector<16xi32>], vector<16xf32>,
        %gather3A_401 = tpu.vector_load_idx %arg7[%add3A_41, %add3A_382] : memref<256x64xf32, #tpu.memory_space<vmem>>[vector<16xi32>, vector<16xi32>], vector<16xf32>,
        %gather3A_402 = tpu.vector_load_idx %arg7[%add3A_44, %add3A_382] : memref<256x64xf32, #tpu.memory_space<vmem>>[vector<16xi32>, vector<16xi32>], vector<16xf32>,
        %gather3A_403 = tpu.vector_load_idx %arg7[%add3A_47, %add3A_382] : memref<256x64xf32, #tpu.memory_space<vmem>>[vector<16xi32>, vector<16xi32>], vector<16xf32>,
        %gather3A_404 = tpu.vector_load_idx %arg7[%add3A_50, %add3A_382] : memref<256x64xf32, #tpu.memory_space<vmem>>[vector<16xi32>, vector<16xi32>], vector<16xf32>,
        tpu.vector_store_idx %arg9[%shift_right_arithmetic3A_385, %broadcast_in_dim3A_51, %and3A_388, %add3A_5], %gather3A_389 : memref<8x2x8x128xf32, #tpu.memory_space<vmem>>[vector<16xi32>, vector<16xi32>, vector<16xi32>, vector<16xi32>], vector<16xf32>,
        tpu.vector_store_idx %arg9[%shift_right_arithmetic3A_385, %broadcast_in_dim3A_51, %and3A_388, %add3A_8], %gather3A_390 : memref<8x2x8x128xf32, #tpu.memory_space<vmem>>[vector<16xi32>, vector<16xi32>, vector<16xi32>, vector<16xi32>], vector<16xf32>,
        tpu.vector_store_idx %arg9[%shift_right_arithmetic3A_385, %broadcast_in_dim3A_51, %and3A_388, %add3A_11], %gather3A_391 : memref<8x2x8x128xf32, #tpu.memory_space<vmem>>[vector<16xi32>, vector<16xi32>, vector<16xi32>, vector<16xi32>], vector<16xf32>,
        tpu.vector_store_idx %arg9[%shift_right_arithmetic3A_385, %broadcast_in_dim3A_51, %and3A_388, %add3A_14], %gather3A_392 : memref<8x2x8x128xf32, #tpu.memory_space<vmem>>[vector<16xi32>, vector<16xi32>, vector<16xi32>, vector<16xi32>], vector<16xf32>,
        tpu.vector_store_idx %arg9[%shift_right_arithmetic3A_385, %broadcast_in_dim3A_51, %and3A_388, %add3A_17], %gather3A_393 : memref<8x2x8x128xf32, #tpu.memory_space<vmem>>[vector<16xi32>, vector<16xi32>, vector<16xi32>, vector<16xi32>], vector<16xf32>,
        tpu.vector_store_idx %arg9[%shift_right_arithmetic3A_385, %broadcast_in_dim3A_51, %and3A_388, %add3A_20], %gather3A_394 : memref<8x2x8x128xf32, #tpu.memory_space<vmem>>[vector<16xi32>, vector<16xi32>, vector<16xi32>, vector<16xi32>], vector<16xf32>,
        tpu.vector_store_idx %arg9[%shift_right_arithmetic3A_385, %broadcast_in_dim3A_51, %and3A_388, %add3A_23], %gather3A_395 : memref<8x2x8x128xf32, #tpu.memory_space<vmem>>[vector<16xi32>, vector<16xi32>, vector<16xi32>, vector<16xi32>], vector<16xf32>,
        tpu.vector_store_idx %arg9[%shift_right_arithmetic3A_385, %broadcast_in_dim3A_51, %and3A_388, %add3A_26], %gather3A_396 : memref<8x2x8x128xf32, #tpu.memory_space<vmem>>[vector<16xi32>, vector<16xi32>, vector<16xi32>, vector<16xi32>], vector<16xf32>,
        tpu.vector_store_idx %arg9[%shift_right_arithmetic3A_385, %broadcast_in_dim3A_53, %and3A_388, %add3A_5], %gather3A_397 : memref<8x2x8x128xf32, #tpu.memory_space<vmem>>[vector<16xi32>, vector<16xi32>, vector<16xi32>, vector<16xi32>], vector<16xf32>,
        tpu.vector_store_idx %arg9[%shift_right_arithmetic3A_385, %broadcast_in_dim3A_53, %and3A_388, %add3A_8], %gather3A_398 : memref<8x2x8x128xf32, #tpu.memory_space<vmem>>[vector<16xi32>, vector<16xi32>, vector<16xi32>, vector<16xi32>], vector<16xf32>,
        tpu.vector_store_idx %arg9[%shift_right_arithmetic3A_385, %broadcast_in_dim3A_53, %and3A_388, %add3A_11], %gather3A_399 : memref<8x2x8x128xf32, #tpu.memory_space<vmem>>[vector<16xi32>, vector<16xi32>, vector<16xi32>, vector<16xi32>], vector<16xf32>,
        tpu.vector_store_idx %arg9[%shift_right_arithmetic3A_385, %broadcast_in_dim3A_53, %and3A_388, %add3A_14], %gather3A_400 : memref<8x2x8x128xf32, #tpu.memory_space<vmem>>[vector<16xi32>, vector<16xi32>, vector<16xi32>, vector<16xi32>], vector<16xf32>,
        tpu.vector_store_idx %arg9[%shift_right_arithmetic3A_385, %broadcast_in_dim3A_53, %and3A_388, %add3A_17], %gather3A_401 : memref<8x2x8x128xf32, #tpu.memory_space<vmem>>[vector<16xi32>, vector<16xi32>, vector<16xi32>, vector<16xi32>], vector<16xf32>,
        tpu.vector_store_idx %arg9[%shift_right_arithmetic3A_385, %broadcast_in_dim3A_53, %and3A_388, %add3A_20], %gather3A_402 : memref<8x2x8x128xf32, #tpu.memory_space<vmem>>[vector<16xi32>, vector<16xi32>, vector<16xi32>, vector<16xi32>], vector<16xf32>,
        tpu.vector_store_idx %arg9[%shift_right_arithmetic3A_385, %broadcast_in_dim3A_53, %and3A_388, %add3A_23], %gather3A_403 : memref<8x2x8x128xf32, #tpu.memory_space<vmem>>[vector<16xi32>, vector<16xi32>, vector<16xi32>, vector<16xi32>], vector<16xf32>,
        tpu.vector_store_idx %arg9[%shift_right_arithmetic3A_385, %broadcast_in_dim3A_53, %and3A_388, %add3A_26], %gather3A_404 : memref<8x2x8x128xf32, #tpu.memory_space<vmem>>[vector<16xi32>, vector<16xi32>, vector<16xi32>, vector<16xi32>], vector<16xf32>,
      }
      %scan3A_240 = arith.constant 16 : i32
      %jit3A_241 = arith.constant 2 : i32
      %div3A_242 = arith.divsi %add3A_209, %jit3A_241 : i32
      %sign3A_243 = arith.constant 0 : i32
      %sign3A_244 = arith.cmpi sgt, %add3A_209, %sign3A_243 : i32
      %sign3A_245 = arith.extui %sign3A_244 : i1 to i32
      %sign3A_246 = arith.constant 0 : i32
      %sign3A_247 = arith.cmpi slt, %add3A_209, %sign3A_246 : i32
      %sign3A_248 = arith.extui %sign3A_247 : i1 to i32
      %sign3A_249 = arith.subi %sign3A_245, %sign3A_248 : i32
      %sign3A_250 = arith.constant 0 : i32
      %sign3A_251 = arith.cmpi sgt, %jit3A_241, %sign3A_250 : i32
      %sign3A_252 = arith.extui %sign3A_251 : i1 to i32
      %sign3A_253 = arith.constant 0 : i32
      %sign3A_254 = arith.cmpi slt, %jit3A_241, %sign3A_253 : i32
      %sign3A_255 = arith.extui %sign3A_254 : i1 to i32
      %sign3A_256 = arith.subi %sign3A_252, %sign3A_255 : i32
      %ne3A_257 = arith.cmpi ne, %sign3A_249, %sign3A_256 : i32
      %rem3A_258 = arith.remsi %add3A_209, %jit3A_241 : i32
      %ne3A_259 = arith.constant 0 : i32
      %ne3A_260 = arith.cmpi ne, %rem3A_258, %ne3A_259 : i32
      %and3A_261 = arith.andi %ne3A_257, %ne3A_260 : i1
      %sub3A_262 = arith.constant 1 : i32
      %sub3A_263 = arith.subi %div3A_242, %sub3A_262 : i32
      %select_n3A_264 = arith.select %and3A_261, %sub3A_263, %div3A_242 : i32
      %jit3A_265 = arith.constant 2 : i32
      %eq3A_266 = arith.constant 0 : i32
      %eq3A_267 = arith.cmpi eq, %jit3A_265, %eq3A_266 : i32
      %jit3A_268 = arith.constant 1 : i32
      %select_n3A_269 = arith.select %eq3A_267, %jit3A_268, %jit3A_265 : i32
      %rem3A_270 = arith.remsi %add3A_209, %select_n3A_269 : i32
      %ne3A_271 = arith.constant 0 : i32
      %ne3A_272 = arith.cmpi ne, %rem3A_270, %ne3A_271 : i32
      %lt3A_273 = arith.constant 0 : i32
      %lt3A_274 = arith.cmpi slt, %rem3A_270, %lt3A_273 : i32
      %lt3A_275 = arith.constant 0 : i32
      %lt3A_276 = arith.cmpi slt, %select_n3A_269, %lt3A_275 : i32
      %ne3A_277 = arith.xori %lt3A_274, %lt3A_276 : i1
      %and3A_278 = arith.andi %ne3A_277, %ne3A_272 : i1
      %add3A_279 = arith.addi %rem3A_270, %select_n3A_269 : i32
      %select_n3A_280 = arith.select %and3A_278, %add3A_279, %rem3A_270 : i32
      %mul3A_281 = arith.constant 4 : i32
      %mul3A_282 = arith.muli %add3A, %mul3A_281 : i32
      %mul3A_283 = arith.constant 2 : i32
      %mul3A_284 = arith.muli %select_n3A_280, %mul3A_283 : i32
      %add3A_285 = arith.addi %mul3A_282, %mul3A_284 : i32
      %dma_start3A_286 = arith.constant 0 : i32
      %dma_start3A_287 = arith.constant 0 : i32
      %dma_start3A_288 = arith.constant 0 : i32
      %dma_start3A_289 = tpu.memref_slice %arg4[%select_n3A_264, %dma_start3A_286, %add3A_285, %dma_start3A_287, %dma_start3A_288] : memref<50x8x128x8x128xf32, #tpu.memory_space<hbm>> -> memref<1x8x2x8x128xf32, #tpu.memory_space<hbm>>
      %dma_start3A_290 = tpu.memref_squeeze %dma_start3A_289 : memref<1x8x2x8x128xf32, #tpu.memory_space<hbm>> -> memref<8x2x8x128xf32, #tpu.memory_space<hbm>>
      %dma_start3A_291 = arith.constant 0 : i32
      %dma_start3A_292 = arith.constant 0 : i32
      %dma_start3A_293 = arith.constant 0 : i32
      %dma_start3A_294 = tpu.memref_slice %arg4[%select_n3A_264, %dma_start3A_291, %add3A_285, %dma_start3A_292, %dma_start3A_293] : memref<50x8x128x8x128xf32, #tpu.memory_space<hbm>> -> memref<1x8x2x8x128xf32, #tpu.memory_space<hbm>>
      %dma_start3A_295 = tpu.memref_squeeze %dma_start3A_294 : memref<1x8x2x8x128xf32, #tpu.memory_space<hbm>> -> memref<8x2x8x128xf32, #tpu.memory_space<hbm>>
      tpu.enqueue_dma source(%arg9 : memref<8x2x8x128xf32, #tpu.memory_space<vmem>>) target(%dma_start3A_295 : memref<8x2x8x128xf32, #tpu.memory_space<hbm>>) target_semaphore(%arg13 : memref<!tpu.dma_semaphore, #tpu.memory_space<semaphore_mem>>)
      %lt3A_296 = arith.constant 98 : i32
      %lt3A_297 = arith.cmpi slt, %add3A_209, %lt3A_296 : i32
      %convert_element_type3A_298 = arith.extui %lt3A_297 : i1 to i32
      %cond3A_299 = arith.constant 0 : i32
      %cond3A_300 = arith.cmpi ne, %convert_element_type3A_298, %cond3A_299 : i32
      scf.if %cond3A_300 {
        %add3A_301 = arith.constant 2 : i32
        %add3A_302 = arith.addi %add3A_209, %add3A_301 : i32
        %jit3A_303 = arith.constant 2 : i32
        %div3A_304 = arith.divsi %add3A_302, %jit3A_303 : i32
        %sign3A_305 = arith.constant 0 : i32
        %sign3A_306 = arith.cmpi sgt, %add3A_302, %sign3A_305 : i32
        %sign3A_307 = arith.extui %sign3A_306 : i1 to i32
        %sign3A_308 = arith.constant 0 : i32
        %sign3A_309 = arith.cmpi slt, %add3A_302, %sign3A_308 : i32
        %sign3A_310 = arith.extui %sign3A_309 : i1 to i32
        %sign3A_311 = arith.subi %sign3A_307, %sign3A_310 : i32
        %sign3A_312 = arith.constant 0 : i32
        %sign3A_313 = arith.cmpi sgt, %jit3A_303, %sign3A_312 : i32
        %sign3A_314 = arith.extui %sign3A_313 : i1 to i32
        %sign3A_315 = arith.constant 0 : i32
        %sign3A_316 = arith.cmpi slt, %jit3A_303, %sign3A_315 : i32
        %sign3A_317 = arith.extui %sign3A_316 : i1 to i32
        %sign3A_318 = arith.subi %sign3A_314, %sign3A_317 : i32
        %ne3A_319 = arith.cmpi ne, %sign3A_311, %sign3A_318 : i32
        %rem3A_320 = arith.remsi %add3A_302, %jit3A_303 : i32
        %ne3A_321 = arith.constant 0 : i32
        %ne3A_322 = arith.cmpi ne, %rem3A_320, %ne3A_321 : i32
        %and3A_323 = arith.andi %ne3A_319, %ne3A_322 : i1
        %sub3A_324 = arith.constant 1 : i32
        %sub3A_325 = arith.subi %div3A_304, %sub3A_324 : i32
        %select_n3A_326 = arith.select %and3A_323, %sub3A_325, %div3A_304 : i32
        %jit3A_327 = arith.constant 2 : i32
        %eq3A_328 = arith.constant 0 : i32
        %eq3A_329 = arith.cmpi eq, %jit3A_327, %eq3A_328 : i32
        %jit3A_330 = arith.constant 1 : i32
        %select_n3A_331 = arith.select %eq3A_329, %jit3A_330, %jit3A_327 : i32
        %rem3A_332 = arith.remsi %add3A_302, %select_n3A_331 : i32
        %ne3A_333 = arith.constant 0 : i32
        %ne3A_334 = arith.cmpi ne, %rem3A_332, %ne3A_333 : i32
        %lt3A_335 = arith.constant 0 : i32
        %lt3A_336 = arith.cmpi slt, %rem3A_332, %lt3A_335 : i32
        %lt3A_337 = arith.constant 0 : i32
        %lt3A_338 = arith.cmpi slt, %select_n3A_331, %lt3A_337 : i32
        %ne3A_339 = arith.xori %lt3A_336, %lt3A_338 : i1
        %and3A_340 = arith.andi %ne3A_339, %ne3A_334 : i1
        %add3A_341 = arith.addi %rem3A_332, %select_n3A_331 : i32
        %select_n3A_342 = arith.select %and3A_340, %add3A_341, %rem3A_332 : i32
        %mul3A_343 = arith.constant 256 : i32
        %mul3A_344 = arith.muli %select_n3A_342, %mul3A_343 : i32
        %add3A_345 = arith.constant 0 : i32
        %add3A_346 = arith.addi %mul3A_344, %add3A_345 : i32
        %dma_start3A_347 = arith.constant 0 : i32
        %dma_start3A_348 = arith.constant 0 : i32
        %dma_start3A_349 = tpu.memref_slice %arg7[%dma_start3A_347, %dma_start3A_348] : memref<256x64xf32, #tpu.memory_space<vmem>> -> memref<128x64xf32, #tpu.memory_space<vmem>>
        %dma_start3A_350 = tpu.memref_slice %arg5[%select_n3A_326, %add3A_346] : memref<50x512xi32, #tpu.memory_space<vmem>> -> memref<1x128xi32, #tpu.memory_space<vmem>>
        %dma_start3A_351 = tpu.memref_squeeze %dma_start3A_350 : memref<1x128xi32, #tpu.memory_space<vmem>> -> memref<128xi32, #tpu.memory_space<vmem>>
        %dma_start3A_352 = arith.constant 0 : i32
        %dma_start3A_353 = arith.constant 0 : i32
        %dma_start3A_354 = tpu.memref_slice %arg2[%dma_start3A_352, %dma_start3A_353] : memref<1000x64xf32, #tpu.memory_space<hbm>> -> memref<1000x64xf32, #tpu.memory_space<hbm>>
        tpu.enqueue_indirect_dma source(%dma_start3A_354 : memref<1000x64xf32, #tpu.memory_space<hbm>>) target(%dma_start3A_349 : memref<128x64xf32, #tpu.memory_space<vmem>>) offsets(%dma_start3A_351 : memref<128xi32, #tpu.memory_space<vmem>>) semaphore(%arg11 : memref<!tpu.dma_semaphore, #tpu.memory_space<semaphore_mem>>)
        %mul3A_355 = arith.constant 256 : i32
        %mul3A_356 = arith.muli %select_n3A_342, %mul3A_355 : i32
        %add3A_357 = arith.constant 128 : i32
        %add3A_358 = arith.addi %mul3A_356, %add3A_357 : i32
        %dma_start3A_359 = arith.constant 128 : i32
        %dma_start3A_360 = arith.constant 0 : i32
        %dma_start3A_361 = tpu.memref_slice %arg7[%dma_start3A_359, %dma_start3A_360] : memref<256x64xf32, #tpu.memory_space<vmem>> -> memref<128x64xf32, #tpu.memory_space<vmem>>
        %dma_start3A_362 = tpu.memref_slice %arg5[%select_n3A_326, %add3A_358] : memref<50x512xi32, #tpu.memory_space<vmem>> -> memref<1x128xi32, #tpu.memory_space<vmem>>
        %dma_start3A_363 = tpu.memref_squeeze %dma_start3A_362 : memref<1x128xi32, #tpu.memory_space<vmem>> -> memref<128xi32, #tpu.memory_space<vmem>>
        %dma_start3A_364 = arith.constant 0 : i32
        %dma_start3A_365 = arith.constant 0 : i32
        %dma_start3A_366 = tpu.memref_slice %arg2[%dma_start3A_364, %dma_start3A_365] : memref<1000x64xf32, #tpu.memory_space<hbm>> -> memref<1000x64xf32, #tpu.memory_space<hbm>>
        tpu.enqueue_indirect_dma source(%dma_start3A_366 : memref<1000x64xf32, #tpu.memory_space<hbm>>) target(%dma_start3A_361 : memref<128x64xf32, #tpu.memory_space<vmem>>) offsets(%dma_start3A_363 : memref<128xi32, #tpu.memory_space<vmem>>) semaphore(%arg11 : memref<!tpu.dma_semaphore, #tpu.memory_space<semaphore_mem>>)
      } else {
      }
    }
    %scan3A_97 = arith.constant 50 : i32
    %mul3A_98 = arith.constant 4 : i32
    %mul3A_99 = arith.muli %add3A, %mul3A_98 : i32
    %add3A_100 = arith.constant 0 : i32
    %add3A_101 = arith.addi %mul3A_99, %add3A_100 : i32
    %dma_wait3A = arith.constant 49 : i32
    %dma_wait3A_102 = arith.constant 0 : i32
    %dma_wait3A_103 = arith.constant 0 : i32
    %dma_wait3A_104 = arith.constant 0 : i32
    %dma_wait3A_105 = tpu.memref_slice %arg4[%dma_wait3A, %dma_wait3A_102, %add3A_101, %dma_wait3A_103, %dma_wait3A_104] : memref<50x8x128x8x128xf32, #tpu.memory_space<hbm>> -> memref<1x8x2x8x128xf32, #tpu.memory_space<hbm>>
    %dma_wait3A_106 = tpu.memref_squeeze %dma_wait3A_105 : memref<1x8x2x8x128xf32, #tpu.memory_space<hbm>> -> memref<8x2x8x128xf32, #tpu.memory_space<hbm>>
    %dma_wait3A_107 = arith.constant 0 : i32
    %dma_wait3A_108 = arith.constant 0 : i32
    %dma_wait3A_109 = arith.constant 0 : i32
    %dma_wait3A_110 = tpu.memref_slice %arg4[%dma_wait3A, %dma_wait3A_107, %add3A_101, %dma_wait3A_108, %dma_wait3A_109] : memref<50x8x128x8x128xf32, #tpu.memory_space<hbm>> -> memref<1x8x2x8x128xf32, #tpu.memory_space<hbm>>
    %dma_wait3A_111 = tpu.memref_squeeze %dma_wait3A_110 : memref<1x8x2x8x128xf32, #tpu.memory_space<hbm>> -> memref<8x2x8x128xf32, #tpu.memory_space<hbm>>
    tpu.wait_dma2 semaphore(%arg12 : memref<!tpu.dma_semaphore, #tpu.memory_space<semaphore_mem>>) src(%arg8 : memref<8x2x8x128xf32, #tpu.memory_space<vmem>>) dst(%dma_wait3A_111 : memref<8x2x8x128xf32, #tpu.memory_space<hbm>>)
    %mul3A_112 = arith.constant 4 : i32
    %mul3A_113 = arith.muli %add3A, %mul3A_112 : i32
    %add3A_114 = arith.constant 2 : i32
    %add3A_115 = arith.addi %mul3A_113, %add3A_114 : i32
    %dma_wait3A_116 = arith.constant 49 : i32
    %dma_wait3A_117 = arith.constant 0 : i32
    %dma_wait3A_118 = arith.constant 0 : i32
    %dma_wait3A_119 = arith.constant 0 : i32
    %dma_wait3A_120 = tpu.memref_slice %arg4[%dma_wait3A_116, %dma_wait3A_117, %add3A_115, %dma_wait3A_118, %dma_wait3A_119] : memref<50x8x128x8x128xf32, #tpu.memory_space<hbm>> -> memref<1x8x2x8x128xf32, #tpu.memory_space<hbm>>
    %dma_wait3A_121 = tpu.memref_squeeze %dma_wait3A_120 : memref<1x8x2x8x128xf32, #tpu.memory_space<hbm>> -> memref<8x2x8x128xf32, #tpu.memory_space<hbm>>
    %dma_wait3A_122 = arith.constant 0 : i32
    %dma_wait3A_123 = arith.constant 0 : i32
    %dma_wait3A_124 = arith.constant 0 : i32
    %dma_wait3A_125 = tpu.memref_slice %arg4[%dma_wait3A_116, %dma_wait3A_122, %add3A_115, %dma_wait3A_123, %dma_wait3A_124] : memref<50x8x128x8x128xf32, #tpu.memory_space<hbm>> -> memref<1x8x2x8x128xf32, #tpu.memory_space<hbm>>
    %dma_wait3A_126 = tpu.memref_squeeze %dma_wait3A_125 : memref<1x8x2x8x128xf32, #tpu.memory_space<hbm>> -> memref<8x2x8x128xf32, #tpu.memory_space<hbm>>
    tpu.wait_dma2 semaphore(%arg13 : memref<!tpu.dma_semaphore, #tpu.memory_space<semaphore_mem>>) src(%arg9 : memref<8x2x8x128xf32, #tpu.memory_space<vmem>>) dst(%dma_wait3A_126 : memref<8x2x8x128xf32, #tpu.memory_space<hbm>>)
    return
  }
}

module attributes {stable_mosaic.version = 14 : i64} {
  func.func @_scale_body(%arg0: memref<1000x64xf32, #tpu.memory_space<vmem>>, %arg1: memref<1000x1xf32, #tpu.memory_space<vmem>>, %arg2: memref<1000x64xf32, #tpu.memory_space<vmem>>) attributes {dimension_semantics = [], scalar_prefetch = 0 : i64, scratch_operands = 0 : i64, tpu.core_type = #tpu.core_type<tc>} {
    %get3A = arith.constant 0 : index
    %get3A_0 = arith.constant 0 : index
    %get3A_1 = vector.load %arg0[%get3A, %get3A_0] : memref<1000x64xf32, #tpu.memory_space<vmem>>, vector<1000x64xf32>
    %get3A_2 = arith.constant 0 : index
    %get3A_3 = arith.constant 0 : index
    %get3A_4 = vector.load %arg1[%get3A_2, %get3A_3] : memref<1000x1xf32, #tpu.memory_space<vmem>>, vector<1000x1xf32>
    %mul3A = vector.broadcast %get3A_4 : vector<1000x1xf32> to vector<1000x64xf32>
    %mul3A_5 = arith.mulf %get3A_1, %mul3A : vector<1000x64xf32>
    %swap3A = arith.constant 0 : index
    %swap3A_6 = arith.constant 0 : index
    %swap3A_7 = vector.load %arg2[%swap3A, %swap3A_6] : memref<1000x64xf32, #tpu.memory_space<vmem>>, vector<1000x64xf32>
    tpu.vector_store %arg2[%swap3A, %swap3A_6], %mul3A_5 {strides = array<i32>} : memref<1000x64xf32, #tpu.memory_space<vmem>>, vector<1000x64xf32>,
    return
  }
}

</mosaic_0001>

<sc_bundles>
// kernel: kernel.4.cloned.1.call-start
scs
__scs_entry_jumppad:
0x0: {  	(pc) =	sbr.rel $0x88, $3  }
0x1: {  	(tag) =	ssettag $0x0;
	lr =	simm.s32 $0x1  }
0x2: {  	[smem:$0x3F9E] =	sst lr;
	_ =	strace $0xD0000000  }
0x3: {  	_ = 	snop  }
0x4: {  	_ = 	snop  }
0x5: {  	_ = 	snop  }
0x6: {  	_ = 	snop  }
0x7: {  	_ = 	snop  }
__scs_overlays_trampoline_lowered:
0x8: {  	[smem:$0x3FAD] =	sst s0  }
0x9: {  	[smem:$0x3FAE] =	sst s1  }
0xa: {  	[smem:$0x3FAF] =	sst s2  }
0xb: {  	[smem:$0x3FB0] =	sst s3  }
0xc: {  	[smem:$0x3FB1] =	sst s4  }
0xd: {  	[smem:$0x3FB2] =	sst s5  }
0xe: {  	[smem:$0x3FB3] =	sst s6  }
0xf: {  	[smem:$0x3FB4] =	sst s7  }
0x10: {  	[smem:$0x3FB5] =	sst s8  }
0x11: {  	[smem:$0x3FB6] =	sst s9;
	s0 =	simm.s32 @!p0 $0x0  }
0x12: {  	s1 =	sld [smem:$0x3F9C];
	s0 =	simm.s32 @p0 $0x1  }
0x13: {  	[smem:$0x3FB7] =	sst s0;
	s0 =	simm.s32 @!p1 $0x0  }
0x14: {  	s2 =	sld [smem:$0x3F9B];
	s0 =	simm.s32 @p1 $0x1  }
0x15: {  	[smem:$0x3FB8] =	sst s0;
	s0 =	simm.s32 @!p2 $0x0  }
0x16: {  	s3 =	sld [smem:$0x3FDB];
	s0 =	simm.s32 @p2 $0x1  }
0x17: {  	s4 =	simm.s32 $0x1BF5;
	[smem:$0x3FBA] =	sst s0  }
0x18: {  	s0 =	sld [smem:$0x3F9D];
	_ =	swait.ge [sflag:s4], $0x0  }
0x19: {  	s7 =	sld [smem:$0x3F9E]  }
0x1a: {  	s8 =	sadd.s32 $0xFFFFE003, lr  }
0x1b: {  	s9 =	sadd.s32 $0xFFFFFEF7, lr;
	s5 =	simm.s32 $0xFFFFFFFF;
	p2 =	slt.u32 s8, $0xFFFFF086  }
0x1c: {  	p1 =	slt.u32 s9, $0xF7A;
	s5 =	simm.s32 @!p2 $0x0  }
0x1d: {  	s5 =	simm.s32 @p1 $0x1;
	p0 =	seq.s32 s7, s2  }
0x1e: {  	s7 =	smul.u32 @!p0 $0xF7A, s2;
	p2 =	seq.s32 @!p0 s5, $0x0  }
0x1f: {  	s9 =	smul.u32 $0xF7A, s1;
	s8 =	simm.s32 @!p0 $0x1BF5;
	p2 =	por !p2, p0  }
0x20: {  	[sflag:s8] =	ssyncset.s32 @!p0 $0xFFFFF086;
	s6 =	sadd.s32 @!p0 s3, s7;
	s7 =	simm.s32 @!p0 $0x108  }
0x21: {  	s3 =	sadd.s32 s3, s9;
	s6 =	sadd.s32 @!p0 $0x88, s6;
	s7 =	simm.s32 @p2 $0x1082  }
0x22: {  	[simem:s7], [sflag:s8] =	dma.local @!p0 [hbm:s6], $0xF7A  }
0x23: {  	s9 =	sor.u32 $0xD0000000, s2;
	s6 =	simm.s32 $0x108;
	_ =	swait.ge @!p0 [sflag:s8], $0x0  }
0x24: {  	s3 =	sadd.s32 $0x88, s3;
	s6 =	simm.s32 @!p1 $0x1082;
	[sflag:s4] =	ssyncset.s32 $0xFFFFF086  }
0x25: {  	[simem:s6], [sflag:s4] =	dma.local [hbm:s3], $0xF7A  }
0x26: {  	[smem:$0x3F9E] =	sst s1;
	(tag) =	ssettag s2;
	_ =	strace s9  }
0x27: {  	s1 =	sld [smem:$0x3FAE]  }
0x28: {  	s2 =	sld [smem:$0x3FAF]  }
0x29: {  	s4 =	sld [smem:$0x3FB1]  }
0x2a: {  	p0 =	seq.s32 s5, $0x0;
	s5 =	sld [smem:$0x3FB2]  }
0x2b: {  	s6 =	sld [smem:$0x3FB3]  }
0x2c: {  	s7 =	sld [smem:$0x3FB4]  }
0x2d: {  	s3 =	simm.s32 $0x108;
	s8 =	sld [smem:$0x3FB5]  }
0x2e: {  	s3 =	simm.s32 @!p0 $0x1082;
	s9 =	sld [smem:$0x3FB6]  }
0x2f: {  	lr =	sadd.s32 s0, s3;
	s0 =	sld [smem:$0x3FAD]  }
0x30: {  	s3 =	sld [smem:$0x3FB0]  }
0x31: {  	[smem:$0x3FB9] =	sst s10  }
0x32: {  	s10 =	sld [smem:$0x3FB7];
	_ =	sdelay $0x3  }
0x33: {  	p0 =	seq.s32 s10, $0x1;
	s10 =	sld [smem:$0x3FB9];
	_ =	sdelay $0x3  }
0x34: {  	[smem:$0x3FB9] =	sst s10  }
0x35: {  	s10 =	sld [smem:$0x3FB8];
	_ =	sdelay $0x3  }
0x36: {  	p1 =	seq.s32 s10, $0x1;
	s10 =	sld [smem:$0x3FB9];
	_ =	sdelay $0x3  }
0x37: {  	[smem:$0x3FB9] =	sst s10  }
0x38: {  	s10 =	sld [smem:$0x3FBA]  }
0x39: {  	_ = 	snop;
	(pc) =	sbr.ind lr, $3  }
0x3a: {  	_ = 	snop  }
0x3b: {  	_ = 	snop  }
0x3c: {  	p2 =	seq.s32 s10, $0x1;
	s10 =	sld [smem:$0x3FB9]  }
0x3d: {  	_ =	shalt  }
0x3e: {  	_ =	shalt  }
0x3f: {  	_ =	shalt  }
0x40: {  	_ =	shalt  }
0x41: {  	_ =	shalt  }
0x42: {  	_ =	shalt  }
0x43: {  	_ =	shalt  }
0x44: {  	_ =	shalt  }
0x45: {  	_ =	shalt  }
0x46: {  	_ =	shalt  }
0x47: {  	_ =	shalt  }
0x48: {  	_ =	shalt  }
0x49: {  	_ =	shalt  }
0x4a: {  	_ =	shalt  }
0x4b: {  	_ =	shalt  }
0x4c: {  	_ =	shalt  }
0x4d: {  	_ =	shalt  }
0x4e: {  	_ =	shalt  }
0x4f: {  	_ =	shalt  }
0x50: {  	_ =	shalt  }
0x51: {  	_ =	shalt  }
0x52: {  	_ =	shalt  }
0x53: {  	_ =	shalt  }
0x54: {  	_ =	shalt  }
0x55: {  	_ =	shalt  }
0x56: {  	_ =	shalt  }
0x57: {  	_ =	shalt  }
0x58: {  	_ =	shalt  }
0x59: {  	_ =	shalt  }
0x5a: {  	_ =	shalt  }
0x5b: {  	_ =	shalt  }
0x5c: {  	_ =	shalt  }
0x5d: {  	_ =	shalt  }
0x5e: {  	_ =	shalt  }
0x5f: {  	_ =	shalt  }
0x60: {  	_ =	shalt  }
0x61: {  	_ =	shalt  }
0x62: {  	_ =	shalt  }
0x63: {  	_ =	shalt  }
0x64: {  	_ =	shalt  }
0x65: {  	_ =	shalt  }
0x66: {  	_ =	shalt  }
0x67: {  	_ =	shalt  }
0x68: {  	_ =	shalt  }
0x69: {  	_ =	shalt  }
0x6a: {  	_ =	shalt  }
0x6b: {  	_ =	shalt  }
0x6c: {  	_ =	shalt  }
0x6d: {  	_ =	shalt  }
0x6e: {  	_ =	shalt  }
0x6f: {  	_ =	shalt  }
0x70: {  	_ =	shalt  }
0x71: {  	_ =	shalt  }
0x72: {  	_ =	shalt  }
0x73: {  	_ =	shalt  }
0x74: {  	_ =	shalt  }
0x75: {  	_ =	shalt  }
0x76: {  	_ =	shalt  }
0x77: {  	_ =	shalt  }
0x78: {  	_ =	shalt  }
0x79: {  	_ =	shalt  }
0x7a: {  	_ =	shalt  }
0x7b: {  	_ =	shalt  }
0x7c: {  	_ =	shalt  }
0x7d: {  	_ =	shalt  }
0x7e: {  	_ =	shalt  }
0x7f: {  	_ =	shalt  }
0x80: {  	_ =	shalt  }
0x81: {  	_ =	shalt  }
0x82: {  	_ =	shalt  }
0x83: {  	_ =	shalt  }
0x84: {  	_ =	shalt  }
0x85: {  	_ =	shalt  }
0x86: {  	_ =	shalt  }
0x87: {  	_ =	shalt  }
.Lfunc_end0:
.L_simem_size_0:
called_computation_lowered:
.L_overlay_start_0:
0x88: {  	s2 =	sld [smem:$0x3FD9]  }
0x89: {  	s3 =	sld [smem:$0x3FFE];
	_ =	sdelay $0x1  }
0x8a: {  	s1 =	srdreg.scid  }
0x8b: {  	s0 =	sand.u32 $0x1, s1  }
0x8c: {  	s17 =	sshll.u32 s0, $0xA;
	s2 =	sadd.s32 s3, s2  }
0x8d: {  	s2 =	sadd.s32 s2, s17  }
0x8e: {  	[smem:$0x3FC5] =	sst s2  }
0x8f: {  	_ = 	snop  }
0x90: {  	s2 =	sld [smem:$0x3FD0];
	(tm) =	ssettm $0x1  }
0x91: {  	s18 =	sld [smem:$0x3FFB];
	_ =	sdelay $0x3  }
0x92: {  	_ =	strace s18  }
0x93: {  	s3 =	sld [smem:$0x3FFC];
	_ =	sdelay $0x3  }
0x94: {  	_ =	strace s3  }
0x95: {  	s3 =	sld [smem:$0x3FFD];
	_ =	sdelay $0x3  }
0x96: {  	_ =	strace s3  }
0x97: {  	_ =	strace $0x8FFFFFFF  }
0x98: {  	s19 =	sld [smem:$0x3FDB];
	_ =	sdelay $0x1  }
0x99: {  	s4 =	simm.s32 $_scs_section_size  }
0x9a: {  	s5 =	simm.s32 $_size__tile_overlayer_lowered;
	s6 =	simm.s32 $_tile_overlayer_lowered  }
0x9b: {  	s22 =	simm.s32 $0x1BFF;
	s21 =	sshll.u32 s6, $0x1;
	s3 =	sadd.s32 s4, s19  }
0x9c: {  	s7 =	simm.s32 $0x0;
	s20 =	sshll.u32 s5, $0x1;
	s5 =	sadd.s32 s21, s3  }
0x9d: {  	[timem:s7], [sflag:s22] =	dma.local [hbm:s5], s20  }
0x9e: {  	_ =	swait.ge [sflag:s22], s20  }
0x9f: {  	s4 =	ssub.s32 $0x0, s20;
	[sflag:s22] =	ssyncset.done $0x0  }
0xa0: {  	[sflag:s22] =	ssyncadd.s32 s4;
	_ =	sdelay $0x1  }
0xa1: {  	s23 =	simm.s32 $0x1B8B  }
0xa2: {  	_ =	swait.ge [sflag:s23], $0x1  }
0xa3: {  	[sflag:s23] =	ssyncset.done $0x0  }
0xa4: {  	s25 =	simm.s32 $0x1B8E;
	s24 =	sld [smem:$0x3FFE];
	[sflag:s23] =	ssyncadd.s32 $0xFFFFFFFF  }
0xa5: {  	s26 =	simm.s32 $execute0_lowered;
	[smem:$0x3FD2] =	sst s25  }
0xa6: {  	s5 =	sshll.u32 s26, $0x1;
	_ =	strace $0x80000046;
	[dreg:$0x1] =	wrdreg $0xFFFFFFFF  }
0xa7: {  	s28 =	simm.s32 $_size_execute0_lowered;
	s3 =	sadd.s32 s3, s5;
	[dreg:$0x0] =	wrdreg $0x0  }
0xa8: {  	s5 =	sshll.u32 s28, $0x1;
	[dreg:$0x2] =	wrdreg s3  }
0xa9: {  	[dreg:$0x3] =	wrdreg s5  }
0xaa: {  	[dreg:$0x4] =	wrdreg $0xC0  }
0xab: {  	_ =	task [dreg:s7], $0x5FFFF  }
0xac: {  	[dreg:$0x1] =	wrdreg $0xFFFFFFFF  }
0xad: {  	[dreg:$0x0] =	wrdreg $0x60  }
0xae: {  	[dreg:$0x2] =	wrdreg s24  }
0xaf: {  	[dreg:$0x3] =	wrdreg s2  }
0xb0: {  	[dreg:$0x4] =	wrdreg $0x9  }
0xb1: {  	_ =	task.clear_ibuf [dreg:s7], $0x5FFFF;
	_ =	strace $0x90000046  }
0xb2: {  	s29 =	simm.s32 $0x9;
	_ =	strace $0x80000048  }
0xb3: {  	_ =	swait.ge [sflag:s29], $0x1  }
0xb4: {  	[sflag:s29] =	ssyncadd.s32 $0xFFFFFFFF  }
0xb5: {  	_ =	strace $0x90000048  }
0xb6: {  	_ =	sfence  }
0xb7: {  	s30 =	sld [smem:$0x0];
	_ =	sdelay $0x2  }
0xb8: {  	s31 =	sshll.u32 s1, $0xD;
	s1 =	sshrl.u32 s1, $0x2  }
0xb9: {  	s3 =	sand.u32 $0x4000, s31;
	s1 =	sadd.s32 s1, s30  }
0xba: {  	s0 =	sor.u32 s3, s0;
	s1 =	sshll.u32 s1, $0x11  }
0xbb: {  	s0 =	sor.u32 s1, s0  }
0xbc: {  	s0 =	sadd.s32 $0x8F2B, s0  }
0xbd: {  	[sflag:s0] =	ssyncadd.remote.s32 $0x1  }
0xbe: {  	_ =	sfence.sel $0xFFFF  }
0xbf: {  	[dreg:$0x0] =	wrdreg $0xFFFFFFFF;
	(pc) =	sbr.abs _section_cstart, $3  }
0xc0: {  	[dreg:$0x1] =	wrdreg $0xFFFFFFFF  }
0xc1: {  	_ =	task.clear_ibuf [dreg:s7], $0x2FFFF;
	_ =	strace $0x9FFFFFFF  }
0xc2: {  	(tm) =	ssettm $0x7FFFFFFF  }
0xc3: {  	_ =	shalt  }
tec
execute0_lowered:
.L_overlay_start_1:
0x0: {  	(tag) =	ssettag $0x1  }
0x1: {  	s4 =	rddreg [dreg:$0x0]  }
0x2: {  	s5 =	rddreg [dreg:$0x1]  }
0x3: {  	s2 =	simm.s32 $0x0;
	s3 =	srdreg.scid;
	s0 =	stileid.u32  }
0x4: {  	s9 =	simm.s32 $0x4000;
	s10 =	simm.s32 $0x5;
	s11 =	simm.s32 $0x80  }
0x5: {  	s12 =	simm.s32 $0x6400;
	s13 =	simm.s32 $0x8400;
	s14 =	simm.s32 $0x100  }
0x6: {  	s15 =	simm.s32 $0xA400;
	s16 =	simm.s32 $0x180;
	s17 =	simm.s32 $0xC400  }
0x7: {  	v0 =	vlaneseq.u32;
	s18 =	simm.s32 $0x1;
	s19 =	simm.s32 $0xE400;
	s20 =	simm.s32 $0x800  }
0x8: {  	s21 =	simm.s32 $0x20000;
	s22 =	simm.s32 $0x2;
	s23 =	simm.s32 $0x12400;
	v1 =	vmul.u32 $0x40, v0;
	v17 =	vor.u32 $0x10, v0  }
0x9: {  	s24 =	simm.s32 $0x3;
	s25 =	simm.s32 $0x4;
	s26 =	simm.s32 $0x0;
	v18 =	vor.u32 $0x20, v0;
	v19 =	vor.u32 $0x30, v0;
	v20 =	vor.u32 $0x40, v0  }
0xa: {  	[smem:$0x7FF] =	sst s2;
	s6 =	sand.u32 $0x1, s3;
	s30 =	sshll.u32 s0, $0x1;
	v21 =	vor.u32 $0x50, v0;
	v22 =	vor.u32 $0x60, v0;
	v23 =	vor.u32 $0x70, v0  }
.Ltmp0:
0xb: {  	s3 =	sadd.s32 $0x400, s4;
	s7 =	sor.u32 s6, s30;
	v2 =	vor.u32 $0x400, v1;
	v3 =	vor.u32 $0x800, v1;
	v4 =	vor.u32 $0xC00, v1;
	(pc) =	sbr.rel .LBB2_1-.Ltmp0, $4  }
0xc: {  	_ =	strace $0x80000047;
	s6 =	ssub.s32 $0x2, s6;
	s8 =	sshll.u32 s7, $0x6;
	v5 =	vor.u32 $0x1000, v1;
	v6 =	vor.u32 $0x1400, v1;
	v7 =	vor.u32 $0x1800, v1  }
0xd: {  	s31 =	sshrl.u32 s6, $0x1;
	s7 =	sshll.u32 s7, $0x9;
	v8 =	vor.u32 $0x1C00, v1;
	v9 =	vor.u32 $0x2000, v1;
	v10 =	vor.u32 $0x2400, v1;
	s4 =	sadd.s32 s8, s4  }
0xe: {  	v11 =	vor.u32 $0x2800, v1;
	v12 =	vor.u32 $0x2C00, v1;
	v13 =	vor.u32 $0x3000, v1;
	s8 =	ssub.s32 s6, s31;
	s5 =	sadd.s32 s5, s7;
	s4 =	sadd.s32 $0x2400, s4  }
0xf: {  	v14 =	vor.u32 $0x3400, v1;
	v15 =	vor.u32 $0x3800, v1;
	v16 =	vor.u32 $0x3C00, v1;
	s6 =	sadd.s32 $0x100, s5;
	s7 =	smax.u32 s8, $0x1;
	s8 =	simm.s32 $0x200  }
.LBB2_8:
0x10: {  	s26 =	sadd.s32 $0x1, s26  }
0x11: {  	_ =	swait.ge [sflag:s24], $0x4000;
	p0 =	sne.s32 s26, s7  }
.Ltmp1:
0x12: {  	[sflag:s24] =	ssyncset.done $0x0;
	(pc) =	sbr.rel @!p0 .LBB2_9-.Ltmp1, $4  }
0x13: {  	[sflag:s24] =	ssyncadd.s32 $0xFFFFC000  }
0x14: {  	_ =	swait.ge [sflag:s25], $0x4000  }
0x15: {  	[sflag:s25] =	ssyncset.done $0x0  }
0x16: {  	[sflag:s25] =	ssyncadd.s32 $0xFFFFC000  }
.LBB2_1:
0x17: {  	[tilespmem:s2], [sflag:$0x5] =	stream.strided.gather [hbm4b:s4+s8], $0x6400, s9, s8, $0x38;
	[tilespmem:$0x16400] =	vst v63  }
0x18: {  	_ =	swait.ge [sflag:s10], $0x6400  }
0x19: {  	[sflag:s10] =	ssyncset.done $0x0  }
0x1a: {  	[sflag:s10] =	ssyncadd.s32 $0xFFFF9C00  }
0x1b: {  	[tilespmem:s12], [sflag:$0x1] =	stream.indirect.gather [hbm4b:s3+s11], $0x40, s2, s11, $0xb8;
	[tilespmem:$0x16400] =	vst v63  }
0x1c: {  	_ = 	snop  }
0x1d: {  	[tilespmem:s13], [sflag:$0x1] =	stream.indirect.gather [hbm4b:s3+s11], $0x40, s11, s11, $0xb8;
	[tilespmem:$0x16400] =	vst v63  }
0x1e: {  	_ = 	snop  }
0x1f: {  	[tilespmem:s15], [sflag:$0x2] =	stream.indirect.gather [hbm4b:s3+s11], $0x40, s14, s11, $0xb8;
	[tilespmem:$0x16400] =	vst v63  }
0x20: {  	s28 =	simm.s32 $0x0  }
0x21: {  	[tilespmem:s17], [sflag:$0x2] =	stream.indirect.gather [hbm4b:s3+s11], $0x40, s16, s11, $0xb8;
	[tilespmem:$0x16400] =	vst v63  }
.LBB2_2:
0x22: {  	p0 =	seq.s32 s28, $0x0  }
0x23: {  	s29 =	simm.s32 @!p0 $0x3  }
0x24: {  	_ =	swait.ge @!p0 [sflag:s29], $0x4000  }
0x25: {  	[sflag:s29] =	ssyncset.done @!p0 $0x0  }
0x26: {  	[sflag:s29] =	ssyncadd.s32 @!p0 $0xFFFFC000  }
0x27: {  	_ =	swait.ge [sflag:s18], $0x2000  }
0x28: {  	[sflag:s18] =	ssyncset.done $0x0  }
0x29: {  	[sflag:s18] =	ssyncadd.s32 $0xFFFFE000  }
0x2a: {  	_ =	swait.ge [sflag:s18], $0x2000  }
0x2b: {  	[sflag:s18] =	ssyncset.done $0x0  }
0x2c: {  	s29 =	simm.s32 $0x0;
	[sflag:s18] =	ssyncadd.s32 $0xFFFFE000  }
.LBB2_3:
0x2d: {  	v26 =	vadd.s32 s29, v0  }
0x2e: {  	v27 =	vand.u32 $0xF, v26  }
0x2f: {  	v24 =	vor.u32 v1, v27  }
0x30: {  	v25 =	vor.u32 v2, v27  }
0x31: {  	v28 =	vor.u32 v3, v27  }
0x32: {  	v29 =	vor.u32 v4, v27  }
0x33: {  	v30 =	vor.u32 v5, v27  }
0x34: {  	v61 =	vor.u32 v6, v27;
	v31 =	vld.idx.msk [tilespmem:v24+s12+$0x0], $0xffff  }
0x35: {  	v32 =	vor.u32 v7, v27;
	v25 =	vld.idx.msk [tilespmem:v25+s12+$0x0], $0xffff  }
0x36: {  	v33 =	vor.u32 v8, v27;
	v28 =	vld.idx.msk [tilespmem:v28+s12+$0x0], $0xffff  }
0x37: {  	v34 =	vor.u32 v9, v27;
	v29 =	vld.idx.msk [tilespmem:v29+s12+$0x0], $0xffff  }
0x38: {  	v35 =	vor.u32 v10, v27;
	v30 =	vld.idx.msk [tilespmem:v30+s12+$0x0], $0xffff  }
0x39: {  	v37 =	vor.u32 v11, v27;
	v36 =	vld.idx.msk [tilespmem:v61+s12+$0x0], $0xffff  }
0x3a: {  	v38 =	vor.u32 v12, v27;
	v32 =	vld.idx.msk [tilespmem:v32+s12+$0x0], $0xffff  }
0x3b: {  	v62 =	vshll.u32 v26, $0x8;
	v41 =	vshll.u32 v26, $0x7;
	v39 =	vor.u32 v13, v27;
	v33 =	vld.idx.msk [tilespmem:v33+s12+$0x0], $0xffff  }
0x3c: {  	v40 =	vor.u32 v14, v27;
	v43 =	vand.u32 $0x800, v62;
	v34 =	vld.idx.msk [tilespmem:v34+s12+$0x0], $0xffff;
	v24 =	vand.u32 $0x380, v41  }
0x3d: {  	v42 =	vor.u32 v15, v27;
	v35 =	vld.idx.msk [tilespmem:v35+s12+$0x0], $0xffff;
	v44 =	vor.u32 v24, v43  }
0x3e: {  	v63 =	vor.u32 v16, v27;
	v37 =	vld.idx.msk [tilespmem:v37+s12+$0x0], $0xffff;
	v45 =	vor.u32 v0, v44  }
0x3f: {  	v38 =	vld.idx.msk [tilespmem:v38+s12+$0x0], $0xffff;
	v46 =	vor.u32 v17, v44  }
0x40: {  	v39 =	vld.idx.msk [tilespmem:v39+s12+$0x0], $0xffff;
	v47 =	vor.u32 v18, v44  }
0x41: {  	v40 =	vld.idx.msk [tilespmem:v40+s12+$0x0], $0xffff;
	v48 =	vor.u32 v19, v44  }
0x42: {  	v42 =	vld.idx.msk [tilespmem:v42+s12+$0x0], $0xffff;
	v49 =	vor.u32 v20, v44  }
0x43: {  	v41 =	vld.idx.msk [tilespmem:v63+s12+$0x0], $0xffff;
	v51 =	vor.u32 v21, v44;
	[tilespmem:v45+s19+$0x0] =	vst.idx.msk $0xffff, v31  }
0x44: {  	v52 =	vor.u32 v22, v44;
	[tilespmem:v46+s19+$0x0] =	vst.idx.msk $0xffff, v25;
	v25 =	vor.u32 $0x400, v24  }
0x45: {  	v53 =	vor.u32 v23, v44;
	[tilespmem:v47+s19+$0x0] =	vst.idx.msk $0xffff, v28;
	v43 =	vor.u32 v43, v25  }
0x46: {  	[tilespmem:v48+s19+$0x0] =	vst.idx.msk $0xffff, v29;
	v54 =	vor.u32 v0, v43  }
0x47: {  	v55 =	vor.u32 v17, v43;
	[tilespmem:v49+s19+$0x0] =	vst.idx.msk $0xffff, v30  }
0x48: {  	v56 =	vor.u32 v18, v43;
	[tilespmem:v51+s19+$0x0] =	vst.idx.msk $0xffff, v36  }
0x49: {  	v57 =	vor.u32 v19, v43;
	[tilespmem:v52+s19+$0x0] =	vst.idx.msk $0xffff, v32  }
0x4a: {  	v58 =	vor.u32 v20, v43;
	[tilespmem:v53+s19+$0x0] =	vst.idx.msk $0xffff, v33  }
0x4b: {  	v59 =	vor.u32 v21, v43;
	[tilespmem:v54+s19+$0x0] =	vst.idx.msk $0xffff, v34  }
0x4c: {  	v61 =	vor.u32 $0x10, v26;
	v60 =	vor.u32 v22, v43;
	[tilespmem:v55+s19+$0x0] =	vst.idx.msk $0xffff, v35  }
0x4d: {  	v63 =	vand.u32 $0x1F, v61;
	v62 =	vor.u32 v23, v43;
	[tilespmem:v56+s19+$0x0] =	vst.idx.msk $0xffff, v37  }
0x4e: {  	v44 =	vor.u32 v1, v63;
	[tilespmem:v57+s19+$0x0] =	vst.idx.msk $0xffff, v38  }
0x4f: {  	v45 =	vor.u32 v2, v63;
	[tilespmem:v58+s19+$0x0] =	vst.idx.msk $0xffff, v39  }
0x50: {  	v46 =	vor.u32 v3, v63;
	[tilespmem:v59+s19+$0x0] =	vst.idx.msk $0xffff, v40  }
0x51: {  	v47 =	vor.u32 v4, v63;
	[tilespmem:v60+s19+$0x0] =	vst.idx.msk $0xffff, v42  }
0x52: {  	v48 =	vor.u32 v5, v63;
	[tilespmem:v62+s19+$0x0] =	vst.idx.msk $0xffff, v41  }
0x53: {  	v49 =	vor.u32 v6, v63;
	v32 =	vld.idx.msk [tilespmem:v44+s12+$0x0], $0xffff  }
0x54: {  	v50 =	vor.u32 v7, v63;
	v28 =	vld.idx.msk [tilespmem:v45+s12+$0x0], $0xffff  }
0x55: {  	v51 =	vor.u32 v8, v63;
	v29 =	vld.idx.msk [tilespmem:v46+s12+$0x0], $0xffff  }
0x56: {  	v52 =	vor.u32 v9, v63;
	v30 =	vld.idx.msk [tilespmem:v47+s12+$0x0], $0xffff  }
0x57: {  	v53 =	vor.u32 v10, v63;
	v31 =	vld.idx.msk [tilespmem:v48+s12+$0x0], $0xffff  }
0x58: {  	v54 =	vor.u32 v11, v63;
	v35 =	vld.idx.msk [tilespmem:v49+s12+$0x0], $0xffff  }
0x59: {  	v55 =	vor.u32 v12, v63;
	v36 =	vld.idx.msk [tilespmem:v50+s12+$0x0], $0xffff  }
0x5a: {  	v33 =	vshll.u32 v61, $0x8;
	v56 =	vor.u32 v13, v63;
	v37 =	vld.idx.msk [tilespmem:v51+s12+$0x0], $0xffff  }
0x5b: {  	v33 =	vand.u32 $0x1800, v33;
	v57 =	vor.u32 v14, v63;
	v38 =	vld.idx.msk [tilespmem:v52+s12+$0x0], $0xffff  }
0x5c: {  	v34 =	vor.u32 v16, v63;
	v59 =	vor.u32 v24, v33;
	v39 =	vld.idx.msk [tilespmem:v53+s12+$0x0], $0xffff  }
0x5d: {  	v58 =	vor.u32 v15, v63;
	v60 =	vor.u32 v0, v59;
	v40 =	vld.idx.msk [tilespmem:v54+s12+$0x0], $0xffff  }
0x5e: {  	v61 =	vor.u32 v17, v59;
	v41 =	vld.idx.msk [tilespmem:v55+s12+$0x0], $0xffff  }
0x5f: {  	v62 =	vor.u32 v18, v59;
	v42 =	vld.idx.msk [tilespmem:v56+s12+$0x0], $0xffff  }
0x60: {  	v63 =	vor.u32 v19, v59;
	v43 =	vld.idx.msk [tilespmem:v57+s12+$0x0], $0xffff  }
0x61: {  	v34 =	vld.idx.msk [tilespmem:v34+s12+$0x0], $0xffff;
	v50 =	vor.u32 v20, v59  }
0x62: {  	v52 =	vor.u32 v21, v59;
	v44 =	vld.idx.msk [tilespmem:v58+s12+$0x0], $0xffff;
	[tilespmem:v60+s19+$0x0] =	vst.idx.msk $0xffff, v32  }
0x63: {  	v53 =	vor.u32 v22, v59;
	[tilespmem:v61+s19+$0x0] =	vst.idx.msk $0xffff, v28  }
0x64: {  	v33 =	vor.u32 v33, v25;
	v54 =	vor.u32 v23, v59;
	[tilespmem:v62+s19+$0x0] =	vst.idx.msk $0xffff, v29  }
0x65: {  	v55 =	vor.u32 v0, v33;
	[tilespmem:v63+s19+$0x0] =	vst.idx.msk $0xffff, v30  }
0x66: {  	v56 =	vor.u32 v17, v33;
	[tilespmem:v50+s19+$0x0] =	vst.idx.msk $0xffff, v31  }
0x67: {  	v57 =	vor.u32 v18, v33;
	[tilespmem:v52+s19+$0x0] =	vst.idx.msk $0xffff, v35  }
0x68: {  	v58 =	vor.u32 v19, v33;
	[tilespmem:v53+s19+$0x0] =	vst.idx.msk $0xffff, v36  }
0x69: {  	v59 =	vor.u32 v20, v33;
	[tilespmem:v54+s19+$0x0] =	vst.idx.msk $0xffff, v37  }
0x6a: {  	v27 =	vor.u32 $0x20, v27;
	v60 =	vor.u32 v21, v33;
	[tilespmem:v55+s19+$0x0] =	vst.idx.msk $0xffff, v38  }
0x6b: {  	v61 =	vand.u32 $0x7, v26;
	v62 =	vor.u32 v22, v33;
	v63 =	vand.u32 $0x28, v27;
	[tilespmem:v56+s19+$0x0] =	vst.idx.msk $0xffff, v39  }
0x6c: {  	v45 =	vor.u32 v61, v63;
	[tilespmem:v57+s19+$0x0] =	vst.idx.msk $0xffff, v40;
	v40 =	vor.u32 v23, v33  }
0x6d: {  	v46 =	vor.u32 v1, v45;
	[tilespmem:v58+s19+$0x0] =	vst.idx.msk $0xffff, v41  }
0x6e: {  	v47 =	vor.u32 v2, v45;
	[tilespmem:v59+s19+$0x0] =	vst.idx.msk $0xffff, v42  }
0x6f: {  	v48 =	vor.u32 v3, v45;
	[tilespmem:v60+s19+$0x0] =	vst.idx.msk $0xffff, v43  }
0x70: {  	v49 =	vor.u32 v4, v45;
	[tilespmem:v62+s19+$0x0] =	vst.idx.msk $0xffff, v44  }
0x71: {  	v50 =	vor.u32 v5, v45;
	[tilespmem:v40+s19+$0x0] =	vst.idx.msk $0xffff, v34  }
0x72: {  	v51 =	vor.u32 v6, v45;
	v28 =	vld.idx.msk [tilespmem:v46+s12+$0x0], $0xffff  }
0x73: {  	v35 =	vor.u32 v7, v45;
	v29 =	vld.idx.msk [tilespmem:v47+s12+$0x0], $0xffff  }
0x74: {  	v36 =	vor.u32 v8, v45;
	v30 =	vld.idx.msk [tilespmem:v48+s12+$0x0], $0xffff  }
0x75: {  	v52 =	vor.u32 v9, v45;
	v31 =	vld.idx.msk [tilespmem:v49+s12+$0x0], $0xffff  }
0x76: {  	v53 =	vor.u32 v10, v45;
	v32 =	vld.idx.msk [tilespmem:v50+s12+$0x0], $0xffff  }
0x77: {  	v54 =	vor.u32 v11, v45;
	v34 =	vld.idx.msk [tilespmem:v51+s12+$0x0], $0xffff  }
0x78: {  	v55 =	vor.u32 v12, v45;
	v35 =	vld.idx.msk [tilespmem:v35+s12+$0x0], $0xffff  }
0x79: {  	v27 =	vshll.u32 v27, $0x8;
	v56 =	vor.u32 v13, v45;
	v36 =	vld.idx.msk [tilespmem:v36+s12+$0x0], $0xffff  }
0x7a: {  	v27 =	vand.u32 $0x2800, v27;
	v57 =	vor.u32 v14, v45;
	v37 =	vld.idx.msk [tilespmem:v52+s12+$0x0], $0xffff  }
0x7b: {  	v58 =	vor.u32 v15, v45;
	v59 =	vor.u32 v24, v27;
	v38 =	vld.idx.msk [tilespmem:v53+s12+$0x0], $0xffff  }
0x7c: {  	v33 =	vor.u32 v16, v45;
	v60 =	vor.u32 v0, v59;
	v39 =	vld.idx.msk [tilespmem:v54+s12+$0x0], $0xffff  }
0x7d: {  	v61 =	vor.u32 v17, v59;
	v40 =	vld.idx.msk [tilespmem:v55+s12+$0x0], $0xffff  }
0x7e: {  	v62 =	vor.u32 v18, v59;
	v41 =	vld.idx.msk [tilespmem:v56+s12+$0x0], $0xffff  }
0x7f: {  	v63 =	vor.u32 v19, v59;
	v42 =	vld.idx.msk [tilespmem:v57+s12+$0x0], $0xffff  }
0x80: {  	v43 =	vld.idx.msk [tilespmem:v58+s12+$0x0], $0xffff;
	v52 =	vor.u32 v20, v59  }
0x81: {  	v33 =	vld.idx.msk [tilespmem:v33+s12+$0x0], $0xffff;
	v53 =	vor.u32 v21, v59;
	[tilespmem:v60+s19+$0x0] =	vst.idx.msk $0xffff, v28  }
0x82: {  	v54 =	vor.u32 v22, v59;
	[tilespmem:v61+s19+$0x0] =	vst.idx.msk $0xffff, v29  }
0x83: {  	v27 =	vor.u32 v27, v25;
	v55 =	vor.u32 v23, v59;
	[tilespmem:v62+s19+$0x0] =	vst.idx.msk $0xffff, v30  }
0x84: {  	v56 =	vor.u32 v0, v27;
	[tilespmem:v63+s19+$0x0] =	vst.idx.msk $0xffff, v31  }
0x85: {  	v57 =	vor.u32 v17, v27;
	[tilespmem:v52+s19+$0x0] =	vst.idx.msk $0xffff, v32  }
0x86: {  	v58 =	vor.u32 v18, v27;
	[tilespmem:v53+s19+$0x0] =	vst.idx.msk $0xffff, v34  }
0x87: {  	v59 =	vor.u32 v19, v27;
	[tilespmem:v54+s19+$0x0] =	vst.idx.msk $0xffff, v35  }
0x88: {  	v60 =	vor.u32 v20, v27;
	[tilespmem:v55+s19+$0x0] =	vst.idx.msk $0xffff, v36  }
0x89: {  	v61 =	vor.u32 v21, v27;
	[tilespmem:v56+s19+$0x0] =	vst.idx.msk $0xffff, v37  }
0x8a: {  	v26 =	vor.u32 $0x30, v26;
	v62 =	vor.u32 v22, v27;
	[tilespmem:v57+s19+$0x0] =	vst.idx.msk $0xffff, v38  }
0x8b: {  	v27 =	vor.u32 v23, v27;
	v63 =	vand.u32 $0x3F, v26;
	[tilespmem:v58+s19+$0x0] =	vst.idx.msk $0xffff, v39  }
0x8c: {  	v36 =	vor.u32 v1, v63;
	[tilespmem:v59+s19+$0x0] =	vst.idx.msk $0xffff, v40  }
0x8d: {  	v37 =	vor.u32 v2, v63;
	[tilespmem:v60+s19+$0x0] =	vst.idx.msk $0xffff, v41  }
0x8e: {  	v38 =	vor.u32 v3, v63;
	[tilespmem:v61+s19+$0x0] =	vst.idx.msk $0xffff, v42  }
0x8f: {  	v39 =	vor.u32 v4, v63;
	[tilespmem:v62+s19+$0x0] =	vst.idx.msk $0xffff, v43  }
0x90: {  	v40 =	vor.u32 v5, v63;
	[tilespmem:v27+s19+$0x0] =	vst.idx.msk $0xffff, v33  }
0x91: {  	v44 =	vor.u32 v9, v63;
	v29 =	vld.idx.msk [tilespmem:v36+s12+$0x0], $0xffff  }
0x92: {  	v45 =	vor.u32 v10, v63;
	v30 =	vld.idx.msk [tilespmem:v37+s12+$0x0], $0xffff  }
0x93: {  	v46 =	vor.u32 v11, v63;
	v31 =	vld.idx.msk [tilespmem:v38+s12+$0x0], $0xffff  }
0x94: {  	v47 =	vor.u32 v12, v63;
	v32 =	vld.idx.msk [tilespmem:v39+s12+$0x0], $0xffff  }
0x95: {  	v48 =	vor.u32 v13, v63;
	v27 =	vld.idx.msk [tilespmem:v40+s12+$0x0], $0xffff  }
0x96: {  	v28 =	vor.u32 v16, v63;
	v36 =	vld.idx.msk [tilespmem:v44+s12+$0x0], $0xffff  }
0x97: {  	v41 =	vor.u32 v6, v63;
	v37 =	vld.idx.msk [tilespmem:v45+s12+$0x0], $0xffff  }
0x98: {  	v26 =	vshll.u32 v26, $0x8;
	v49 =	vor.u32 v14, v63;
	v38 =	vld.idx.msk [tilespmem:v46+s12+$0x0], $0xffff  }
0x99: {  	v26 =	vand.u32 $0x3800, v26;
	v42 =	vor.u32 v7, v63;
	v39 =	vld.idx.msk [tilespmem:v47+s12+$0x0], $0xffff  }
0x9a: {  	v50 =	vor.u32 v15, v63;
	v24 =	vor.u32 v24, v26;
	v40 =	vld.idx.msk [tilespmem:v48+s12+$0x0], $0xffff  }
0x9b: {  	v51 =	vor.u32 v0, v24;
	v43 =	vor.u32 v8, v63;
	v28 =	vld.idx.msk [tilespmem:v28+s12+$0x0], $0xffff  }
0x9c: {  	v52 =	vor.u32 v17, v24;
	v33 =	vld.idx.msk [tilespmem:v41+s12+$0x0], $0xffff  }
0x9d: {  	v53 =	vor.u32 v18, v24;
	v41 =	vld.idx.msk [tilespmem:v49+s12+$0x0], $0xffff  }
0x9e: {  	v54 =	vor.u32 v19, v24;
	v34 =	vld.idx.msk [tilespmem:v42+s12+$0x0], $0xffff  }
0x9f: {  	v55 =	vor.u32 v20, v24;
	v42 =	vld.idx.msk [tilespmem:v50+s12+$0x0], $0xffff  }
0xa0: {  	v56 =	vor.u32 v21, v24;
	v35 =	vld.idx.msk [tilespmem:v43+s12+$0x0], $0xffff;
	[tilespmem:v51+s19+$0x0] =	vst.idx.msk $0xffff, v29  }
0xa1: {  	v57 =	vor.u32 v22, v24;
	[tilespmem:v52+s19+$0x0] =	vst.idx.msk $0xffff, v30  }
0xa2: {  	v25 =	vor.u32 v26, v25;
	v24 =	vor.u32 v23, v24;
	[tilespmem:v53+s19+$0x0] =	vst.idx.msk $0xffff, v31  }
0xa3: {  	v26 =	vor.u32 v0, v25;
	[tilespmem:v54+s19+$0x0] =	vst.idx.msk $0xffff, v32  }
0xa4: {  	v58 =	vor.u32 v17, v25;
	[tilespmem:v55+s19+$0x0] =	vst.idx.msk $0xffff, v27  }
0xa5: {  	v59 =	vor.u32 v18, v25;
	[tilespmem:v56+s19+$0x0] =	vst.idx.msk $0xffff, v33  }
0xa6: {  	v60 =	vor.u32 v19, v25;
	[tilespmem:v57+s19+$0x0] =	vst.idx.msk $0xffff, v34  }
0xa7: {  	v61 =	vor.u32 v20, v25;
	[tilespmem:v24+s19+$0x0] =	vst.idx.msk $0xffff, v35  }
0xa8: {  	v62 =	vor.u32 v21, v25;
	[tilespmem:v26+s19+$0x0] =	vst.idx.msk $0xffff, v36  }
0xa9: {  	v63 =	vor.u32 v22, v25;
	[tilespmem:v58+s19+$0x0] =	vst.idx.msk $0xffff, v37  }
0xaa: {  	p0 =	sne.s32 s29, $0xF;
	v25 =	vor.u32 v23, v25;
	[tilespmem:v59+s19+$0x0] =	vst.idx.msk $0xffff, v38  }
.Ltmp2:
0xab: {  	[tilespmem:v60+s19+$0x0] =	vst.idx.msk $0xffff, v39;
	(pc) =	sbr.rel @p0 .LBB2_3-.Ltmp2, $4  }
0xac: {  	[tilespmem:v61+s19+$0x0] =	vst.idx.msk $0xffff, v40  }
0xad: {  	[tilespmem:v62+s19+$0x0] =	vst.idx.msk $0xffff, v41  }
0xae: {  	[tilespmem:v63+s19+$0x0] =	vst.idx.msk $0xffff, v42  }
0xaf: {  	s29 =	sadd.s32 $0x1, s29;
	[tilespmem:v25+s19+$0x0] =	vst.idx.msk $0xffff, v28  }
0xb0: {  	s29 =	sshll.u32 s28, $0x11  }
0xb1: {  	p0 =	seq.s32 s28, $0x31;
	s30 =	sadd.s32 s29, s5  }
0xb2: {  	[hbm4b:s30+s20] =	stream.strided.scatter [tilespmem:s19], [sflag:$0x3], $0x4000, s21, s20, $0x38;
	[tilespmem:$0x16400] =	vst v63  }
0xb3: {  	s30 =	sshll.u32 @!p0 s28, $0x9  }
0xb4: {  	s0 =	simm.s32 @!p0 $0x80;
	s30 =	sand.u32 @!p0 $0x3FFFFE00, s30  }
0xb5: {  	s1 =	simm.s32 @!p0 $0x6400;
	p1 =	seq.s32 @!p0 s28, $0x0;
	s31 =	sadd.s32 @!p0 $0x200, s30  }
0xb6: {  	[tilespmem:s1], [sflag:$0x1] =	stream.indirect.gather @!p0 [hbm4b:s3+s0], $0x40, s31, s0, $0xb8;
	[tilespmem:$0x16400] =	vst v63  }
0xb7: {  	p1 =	por p0, !p1;
	s1 =	sadd.s32 @!p0 $0x280, s30;
	s30 =	simm.s32 @!p0 $0x8400  }
0xb8: {  	[tilespmem:s30], [sflag:$0x1] =	stream.indirect.gather @!p0 [hbm4b:s3+s0], $0x40, s1, s0, $0xb8;
	[tilespmem:$0x16400] =	vst v63  }
0xb9: {  	_ =	swait.ge @p1 [sflag:s25], $0x4000  }
0xba: {  	[sflag:s25] =	ssyncset.done @p1 $0x0  }
0xbb: {  	[sflag:s25] =	ssyncadd.s32 @p1 $0xFFFFC000  }
0xbc: {  	_ =	swait.ge [sflag:s22], $0x2000  }
0xbd: {  	[sflag:s22] =	ssyncset.done $0x0  }
0xbe: {  	[sflag:s22] =	ssyncadd.s32 $0xFFFFE000  }
0xbf: {  	_ =	swait.ge [sflag:s22], $0x2000  }
0xc0: {  	[sflag:s22] =	ssyncset.done $0x0  }
0xc1: {  	s30 =	simm.s32 $0x0;
	[sflag:s22] =	ssyncadd.s32 $0xFFFFE000  }
.LBB2_5:
0xc2: {  	v26 =	vadd.s32 s30, v0  }
0xc3: {  	v27 =	vand.u32 $0xF, v26  }
0xc4: {  	v24 =	vor.u32 v1, v27  }
0xc5: {  	v25 =	vor.u32 v2, v27  }
0xc6: {  	v28 =	vor.u32 v3, v27  }
0xc7: {  	v29 =	vor.u32 v4, v27  }
0xc8: {  	v30 =	vor.u32 v5, v27  }
0xc9: {  	v61 =	vor.u32 v6, v27;
	v31 =	vld.idx.msk [tilespmem:v24+s15+$0x0], $0xffff  }
0xca: {  	v32 =	vor.u32 v7, v27;
	v25 =	vld.idx.msk [tilespmem:v25+s15+$0x0], $0xffff  }
0xcb: {  	v33 =	vor.u32 v8, v27;
	v28 =	vld.idx.msk [tilespmem:v28+s15+$0x0], $0xffff  }
0xcc: {  	v34 =	vor.u32 v9, v27;
	v29 =	vld.idx.msk [tilespmem:v29+s15+$0x0], $0xffff  }
0xcd: {  	v35 =	vor.u32 v10, v27;
	v30 =	vld.idx.msk [tilespmem:v30+s15+$0x0], $0xffff  }
0xce: {  	v37 =	vor.u32 v11, v27;
	v36 =	vld.idx.msk [tilespmem:v61+s15+$0x0], $0xffff  }
0xcf: {  	v38 =	vor.u32 v12, v27;
	v32 =	vld.idx.msk [tilespmem:v32+s15+$0x0], $0xffff  }
0xd0: {  	v62 =	vshll.u32 v26, $0x8;
	v41 =	vshll.u32 v26, $0x7;
	v39 =	vor.u32 v13, v27;
	v33 =	vld.idx.msk [tilespmem:v33+s15+$0x0], $0xffff  }
0xd1: {  	v40 =	vor.u32 v14, v27;
	v43 =	vand.u32 $0x800, v62;
	v34 =	vld.idx.msk [tilespmem:v34+s15+$0x0], $0xffff;
	v24 =	vand.u32 $0x380, v41  }
0xd2: {  	v42 =	vor.u32 v15, v27;
	v35 =	vld.idx.msk [tilespmem:v35+s15+$0x0], $0xffff;
	v44 =	vor.u32 v24, v43  }
0xd3: {  	v63 =	vor.u32 v16, v27;
	v37 =	vld.idx.msk [tilespmem:v37+s15+$0x0], $0xffff;
	v45 =	vor.u32 v0, v44  }
0xd4: {  	v38 =	vld.idx.msk [tilespmem:v38+s15+$0x0], $0xffff;
	v46 =	vor.u32 v17, v44  }
0xd5: {  	v39 =	vld.idx.msk [tilespmem:v39+s15+$0x0], $0xffff;
	v47 =	vor.u32 v18, v44  }
0xd6: {  	v40 =	vld.idx.msk [tilespmem:v40+s15+$0x0], $0xffff;
	v48 =	vor.u32 v19, v44  }
0xd7: {  	v42 =	vld.idx.msk [tilespmem:v42+s15+$0x0], $0xffff;
	v49 =	vor.u32 v20, v44  }
0xd8: {  	v41 =	vld.idx.msk [tilespmem:v63+s15+$0x0], $0xffff;
	v51 =	vor.u32 v21, v44;
	[tilespmem:v45+s23+$0x0] =	vst.idx.msk $0xffff, v31  }
0xd9: {  	v52 =	vor.u32 v22, v44;
	[tilespmem:v46+s23+$0x0] =	vst.idx.msk $0xffff, v25;
	v25 =	vor.u32 $0x400, v24  }
0xda: {  	v53 =	vor.u32 v23, v44;
	[tilespmem:v47+s23+$0x0] =	vst.idx.msk $0xffff, v28;
	v43 =	vor.u32 v43, v25  }
0xdb: {  	[tilespmem:v48+s23+$0x0] =	vst.idx.msk $0xffff, v29;
	v54 =	vor.u32 v0, v43  }
0xdc: {  	v55 =	vor.u32 v17, v43;
	[tilespmem:v49+s23+$0x0] =	vst.idx.msk $0xffff, v30  }
0xdd: {  	v56 =	vor.u32 v18, v43;
	[tilespmem:v51+s23+$0x0] =	vst.idx.msk $0xffff, v36  }
0xde: {  	v57 =	vor.u32 v19, v43;
	[tilespmem:v52+s23+$0x0] =	vst.idx.msk $0xffff, v32  }
0xdf: {  	v58 =	vor.u32 v20, v43;
	[tilespmem:v53+s23+$0x0] =	vst.idx.msk $0xffff, v33  }
0xe0: {  	v59 =	vor.u32 v21, v43;
	[tilespmem:v54+s23+$0x0] =	vst.idx.msk $0xffff, v34  }
0xe1: {  	v61 =	vor.u32 $0x10, v26;
	v60 =	vor.u32 v22, v43;
	[tilespmem:v55+s23+$0x0] =	vst.idx.msk $0xffff, v35  }
0xe2: {  	v63 =	vand.u32 $0x1F, v61;
	v62 =	vor.u32 v23, v43;
	[tilespmem:v56+s23+$0x0] =	vst.idx.msk $0xffff, v37  }
0xe3: {  	v44 =	vor.u32 v1, v63;
	[tilespmem:v57+s23+$0x0] =	vst.idx.msk $0xffff, v38  }
0xe4: {  	v45 =	vor.u32 v2, v63;
	[tilespmem:v58+s23+$0x0] =	vst.idx.msk $0xffff, v39  }
0xe5: {  	v46 =	vor.u32 v3, v63;
	[tilespmem:v59+s23+$0x0] =	vst.idx.msk $0xffff, v40  }
0xe6: {  	v47 =	vor.u32 v4, v63;
	[tilespmem:v60+s23+$0x0] =	vst.idx.msk $0xffff, v42  }
0xe7: {  	v48 =	vor.u32 v5, v63;
	[tilespmem:v62+s23+$0x0] =	vst.idx.msk $0xffff, v41  }
0xe8: {  	v49 =	vor.u32 v6, v63;
	v32 =	vld.idx.msk [tilespmem:v44+s15+$0x0], $0xffff  }
0xe9: {  	v50 =	vor.u32 v7, v63;
	v28 =	vld.idx.msk [tilespmem:v45+s15+$0x0], $0xffff  }
0xea: {  	v51 =	vor.u32 v8, v63;
	v29 =	vld.idx.msk [tilespmem:v46+s15+$0x0], $0xffff  }
0xeb: {  	v52 =	vor.u32 v9, v63;
	v30 =	vld.idx.msk [tilespmem:v47+s15+$0x0], $0xffff  }
0xec: {  	v53 =	vor.u32 v10, v63;
	v31 =	vld.idx.msk [tilespmem:v48+s15+$0x0], $0xffff  }
0xed: {  	v54 =	vor.u32 v11, v63;
	v35 =	vld.idx.msk [tilespmem:v49+s15+$0x0], $0xffff  }
0xee: {  	v55 =	vor.u32 v12, v63;
	v36 =	vld.idx.msk [tilespmem:v50+s15+$0x0], $0xffff  }
0xef: {  	v33 =	vshll.u32 v61, $0x8;
	v56 =	vor.u32 v13, v63;
	v37 =	vld.idx.msk [tilespmem:v51+s15+$0x0], $0xffff  }
0xf0: {  	v33 =	vand.u32 $0x1800, v33;
	v57 =	vor.u32 v14, v63;
	v38 =	vld.idx.msk [tilespmem:v52+s15+$0x0], $0xffff  }
0xf1: {  	v34 =	vor.u32 v16, v63;
	v59 =	vor.u32 v24, v33;
	v39 =	vld.idx.msk [tilespmem:v53+s15+$0x0], $0xffff  }
0xf2: {  	v58 =	vor.u32 v15, v63;
	v60 =	vor.u32 v0, v59;
	v40 =	vld.idx.msk [tilespmem:v54+s15+$0x0], $0xffff  }
0xf3: {  	v61 =	vor.u32 v17, v59;
	v41 =	vld.idx.msk [tilespmem:v55+s15+$0x0], $0xffff  }
0xf4: {  	v62 =	vor.u32 v18, v59;
	v42 =	vld.idx.msk [tilespmem:v56+s15+$0x0], $0xffff  }
0xf5: {  	v63 =	vor.u32 v19, v59;
	v43 =	vld.idx.msk [tilespmem:v57+s15+$0x0], $0xffff  }
0xf6: {  	v34 =	vld.idx.msk [tilespmem:v34+s15+$0x0], $0xffff;
	v50 =	vor.u32 v20, v59  }
0xf7: {  	v52 =	vor.u32 v21, v59;
	v44 =	vld.idx.msk [tilespmem:v58+s15+$0x0], $0xffff;
	[tilespmem:v60+s23+$0x0] =	vst.idx.msk $0xffff, v32  }
0xf8: {  	v53 =	vor.u32 v22, v59;
	[tilespmem:v61+s23+$0x0] =	vst.idx.msk $0xffff, v28  }
0xf9: {  	v33 =	vor.u32 v33, v25;
	v54 =	vor.u32 v23, v59;
	[tilespmem:v62+s23+$0x0] =	vst.idx.msk $0xffff, v29  }
0xfa: {  	v55 =	vor.u32 v0, v33;
	[tilespmem:v63+s23+$0x0] =	vst.idx.msk $0xffff, v30  }
0xfb: {  	v56 =	vor.u32 v17, v33;
	[tilespmem:v50+s23+$0x0] =	vst.idx.msk $0xffff, v31  }
0xfc: {  	v57 =	vor.u32 v18, v33;
	[tilespmem:v52+s23+$0x0] =	vst.idx.msk $0xffff, v35  }
0xfd: {  	v58 =	vor.u32 v19, v33;
	[tilespmem:v53+s23+$0x0] =	vst.idx.msk $0xffff, v36  }
0xfe: {  	v59 =	vor.u32 v20, v33;
	[tilespmem:v54+s23+$0x0] =	vst.idx.msk $0xffff, v37  }
0xff: {  	v27 =	vor.u32 $0x20, v27;
	v60 =	vor.u32 v21, v33;
	[tilespmem:v55+s23+$0x0] =	vst.idx.msk $0xffff, v38  }
0x100: {  	v61 =	vand.u32 $0x7, v26;
	v62 =	vor.u32 v22, v33;
	v63 =	vand.u32 $0x28, v27;
	[tilespmem:v56+s23+$0x0] =	vst.idx.msk $0xffff, v39  }
0x101: {  	v45 =	vor.u32 v61, v63;
	[tilespmem:v57+s23+$0x0] =	vst.idx.msk $0xffff, v40;
	v40 =	vor.u32 v23, v33  }
0x102: {  	v46 =	vor.u32 v1, v45;
	[tilespmem:v58+s23+$0x0] =	vst.idx.msk $0xffff, v41  }
0x103: {  	v47 =	vor.u32 v2, v45;
	[tilespmem:v59+s23+$0x0] =	vst.idx.msk $0xffff, v42  }
0x104: {  	v48 =	vor.u32 v3, v45;
	[tilespmem:v60+s23+$0x0] =	vst.idx.msk $0xffff, v43  }
0x105: {  	v49 =	vor.u32 v4, v45;
	[tilespmem:v62+s23+$0x0] =	vst.idx.msk $0xffff, v44  }
0x106: {  	v50 =	vor.u32 v5, v45;
	[tilespmem:v40+s23+$0x0] =	vst.idx.msk $0xffff, v34  }
0x107: {  	v51 =	vor.u32 v6, v45;
	v28 =	vld.idx.msk [tilespmem:v46+s15+$0x0], $0xffff  }
0x108: {  	v35 =	vor.u32 v7, v45;
	v29 =	vld.idx.msk [tilespmem:v47+s15+$0x0], $0xffff  }
0x109: {  	v36 =	vor.u32 v8, v45;
	v30 =	vld.idx.msk [tilespmem:v48+s15+$0x0], $0xffff  }
0x10a: {  	v52 =	vor.u32 v9, v45;
	v31 =	vld.idx.msk [tilespmem:v49+s15+$0x0], $0xffff  }
0x10b: {  	v53 =	vor.u32 v10, v45;
	v32 =	vld.idx.msk [tilespmem:v50+s15+$0x0], $0xffff  }
0x10c: {  	v54 =	vor.u32 v11, v45;
	v34 =	vld.idx.msk [tilespmem:v51+s15+$0x0], $0xffff  }
0x10d: {  	v55 =	vor.u32 v12, v45;
	v35 =	vld.idx.msk [tilespmem:v35+s15+$0x0], $0xffff  }
0x10e: {  	v27 =	vshll.u32 v27, $0x8;
	v56 =	vor.u32 v13, v45;
	v36 =	vld.idx.msk [tilespmem:v36+s15+$0x0], $0xffff  }
0x10f: {  	v27 =	vand.u32 $0x2800, v27;
	v57 =	vor.u32 v14, v45;
	v37 =	vld.idx.msk [tilespmem:v52+s15+$0x0], $0xffff  }
0x110: {  	v58 =	vor.u32 v15, v45;
	v59 =	vor.u32 v24, v27;
	v38 =	vld.idx.msk [tilespmem:v53+s15+$0x0], $0xffff  }
0x111: {  	v33 =	vor.u32 v16, v45;
	v60 =	vor.u32 v0, v59;
	v39 =	vld.idx.msk [tilespmem:v54+s15+$0x0], $0xffff  }
0x112: {  	v61 =	vor.u32 v17, v59;
	v40 =	vld.idx.msk [tilespmem:v55+s15+$0x0], $0xffff  }
0x113: {  	v62 =	vor.u32 v18, v59;
	v41 =	vld.idx.msk [tilespmem:v56+s15+$0x0], $0xffff  }
0x114: {  	v63 =	vor.u32 v19, v59;
	v42 =	vld.idx.msk [tilespmem:v57+s15+$0x0], $0xffff  }
0x115: {  	v43 =	vld.idx.msk [tilespmem:v58+s15+$0x0], $0xffff;
	v52 =	vor.u32 v20, v59  }
0x116: {  	v33 =	vld.idx.msk [tilespmem:v33+s15+$0x0], $0xffff;
	v53 =	vor.u32 v21, v59;
	[tilespmem:v60+s23+$0x0] =	vst.idx.msk $0xffff, v28  }
0x117: {  	v54 =	vor.u32 v22, v59;
	[tilespmem:v61+s23+$0x0] =	vst.idx.msk $0xffff, v29  }
0x118: {  	v27 =	vor.u32 v27, v25;
	v55 =	vor.u32 v23, v59;
	[tilespmem:v62+s23+$0x0] =	vst.idx.msk $0xffff, v30  }
0x119: {  	v56 =	vor.u32 v0, v27;
	[tilespmem:v63+s23+$0x0] =	vst.idx.msk $0xffff, v31  }
0x11a: {  	v57 =	vor.u32 v17, v27;
	[tilespmem:v52+s23+$0x0] =	vst.idx.msk $0xffff, v32  }
0x11b: {  	v58 =	vor.u32 v18, v27;
	[tilespmem:v53+s23+$0x0] =	vst.idx.msk $0xffff, v34  }
0x11c: {  	v59 =	vor.u32 v19, v27;
	[tilespmem:v54+s23+$0x0] =	vst.idx.msk $0xffff, v35  }
0x11d: {  	v60 =	vor.u32 v20, v27;
	[tilespmem:v55+s23+$0x0] =	vst.idx.msk $0xffff, v36  }
0x11e: {  	v61 =	vor.u32 v21, v27;
	[tilespmem:v56+s23+$0x0] =	vst.idx.msk $0xffff, v37  }
0x11f: {  	v26 =	vor.u32 $0x30, v26;
	v62 =	vor.u32 v22, v27;
	[tilespmem:v57+s23+$0x0] =	vst.idx.msk $0xffff, v38  }
0x120: {  	v27 =	vor.u32 v23, v27;
	v63 =	vand.u32 $0x3F, v26;
	[tilespmem:v58+s23+$0x0] =	vst.idx.msk $0xffff, v39  }
0x121: {  	v36 =	vor.u32 v1, v63;
	[tilespmem:v59+s23+$0x0] =	vst.idx.msk $0xffff, v40  }
0x122: {  	v37 =	vor.u32 v2, v63;
	[tilespmem:v60+s23+$0x0] =	vst.idx.msk $0xffff, v41  }
0x123: {  	v38 =	vor.u32 v3, v63;
	[tilespmem:v61+s23+$0x0] =	vst.idx.msk $0xffff, v42  }
0x124: {  	v39 =	vor.u32 v4, v63;
	[tilespmem:v62+s23+$0x0] =	vst.idx.msk $0xffff, v43  }
0x125: {  	v40 =	vor.u32 v5, v63;
	[tilespmem:v27+s23+$0x0] =	vst.idx.msk $0xffff, v33  }
0x126: {  	v44 =	vor.u32 v9, v63;
	v29 =	vld.idx.msk [tilespmem:v36+s15+$0x0], $0xffff  }
0x127: {  	v45 =	vor.u32 v10, v63;
	v30 =	vld.idx.msk [tilespmem:v37+s15+$0x0], $0xffff  }
0x128: {  	v46 =	vor.u32 v11, v63;
	v31 =	vld.idx.msk [tilespmem:v38+s15+$0x0], $0xffff  }
0x129: {  	v47 =	vor.u32 v12, v63;
	v32 =	vld.idx.msk [tilespmem:v39+s15+$0x0], $0xffff  }
0x12a: {  	v48 =	vor.u32 v13, v63;
	v27 =	vld.idx.msk [tilespmem:v40+s15+$0x0], $0xffff  }
0x12b: {  	v28 =	vor.u32 v16, v63;
	v36 =	vld.idx.msk [tilespmem:v44+s15+$0x0], $0xffff  }
0x12c: {  	v41 =	vor.u32 v6, v63;
	v37 =	vld.idx.msk [tilespmem:v45+s15+$0x0], $0xffff  }
0x12d: {  	v26 =	vshll.u32 v26, $0x8;
	v49 =	vor.u32 v14, v63;
	v38 =	vld.idx.msk [tilespmem:v46+s15+$0x0], $0xffff  }
0x12e: {  	v26 =	vand.u32 $0x3800, v26;
	v42 =	vor.u32 v7, v63;
	v39 =	vld.idx.msk [tilespmem:v47+s15+$0x0], $0xffff  }
0x12f: {  	v50 =	vor.u32 v15, v63;
	v24 =	vor.u32 v24, v26;
	v40 =	vld.idx.msk [tilespmem:v48+s15+$0x0], $0xffff  }
0x130: {  	v51 =	vor.u32 v0, v24;
	v43 =	vor.u32 v8, v63;
	v28 =	vld.idx.msk [tilespmem:v28+s15+$0x0], $0xffff  }
0x131: {  	v52 =	vor.u32 v17, v24;
	v33 =	vld.idx.msk [tilespmem:v41+s15+$0x0], $0xffff  }
0x132: {  	v53 =	vor.u32 v18, v24;
	v41 =	vld.idx.msk [tilespmem:v49+s15+$0x0], $0xffff  }
0x133: {  	v54 =	vor.u32 v19, v24;
	v34 =	vld.idx.msk [tilespmem:v42+s15+$0x0], $0xffff  }
0x134: {  	v55 =	vor.u32 v20, v24;
	v42 =	vld.idx.msk [tilespmem:v50+s15+$0x0], $0xffff  }
0x135: {  	v56 =	vor.u32 v21, v24;
	v35 =	vld.idx.msk [tilespmem:v43+s15+$0x0], $0xffff;
	[tilespmem:v51+s23+$0x0] =	vst.idx.msk $0xffff, v29  }
0x136: {  	v57 =	vor.u32 v22, v24;
	[tilespmem:v52+s23+$0x0] =	vst.idx.msk $0xffff, v30  }
0x137: {  	v25 =	vor.u32 v26, v25;
	v24 =	vor.u32 v23, v24;
	[tilespmem:v53+s23+$0x0] =	vst.idx.msk $0xffff, v31  }
0x138: {  	v26 =	vor.u32 v0, v25;
	[tilespmem:v54+s23+$0x0] =	vst.idx.msk $0xffff, v32  }
0x139: {  	v58 =	vor.u32 v17, v25;
	[tilespmem:v55+s23+$0x0] =	vst.idx.msk $0xffff, v27  }
0x13a: {  	v59 =	vor.u32 v18, v25;
	[tilespmem:v56+s23+$0x0] =	vst.idx.msk $0xffff, v33  }
0x13b: {  	v60 =	vor.u32 v19, v25;
	[tilespmem:v57+s23+$0x0] =	vst.idx.msk $0xffff, v34  }
0x13c: {  	v61 =	vor.u32 v20, v25;
	[tilespmem:v24+s23+$0x0] =	vst.idx.msk $0xffff, v35  }
0x13d: {  	v62 =	vor.u32 v21, v25;
	[tilespmem:v26+s23+$0x0] =	vst.idx.msk $0xffff, v36  }
0x13e: {  	v63 =	vor.u32 v22, v25;
	[tilespmem:v58+s23+$0x0] =	vst.idx.msk $0xffff, v37  }
0x13f: {  	p1 =	sne.s32 s30, $0xF;
	v25 =	vor.u32 v23, v25;
	[tilespmem:v59+s23+$0x0] =	vst.idx.msk $0xffff, v38  }
.Ltmp3:
0x140: {  	[tilespmem:v60+s23+$0x0] =	vst.idx.msk $0xffff, v39;
	(pc) =	sbr.rel @p1 .LBB2_5-.Ltmp3, $4  }
0x141: {  	[tilespmem:v61+s23+$0x0] =	vst.idx.msk $0xffff, v40  }
0x142: {  	[tilespmem:v62+s23+$0x0] =	vst.idx.msk $0xffff, v41  }
0x143: {  	[tilespmem:v63+s23+$0x0] =	vst.idx.msk $0xffff, v42  }
0x144: {  	s30 =	sadd.s32 $0x1, s30;
	[tilespmem:v25+s23+$0x0] =	vst.idx.msk $0xffff, v28  }
.Ltmp4:
0x145: {  	(pc) =	sbr.rel @p0 .LBB2_8-.Ltmp4, $3  }
0x146: {  	_ =	sdelay $0x1  }
0x147: {  	s0 =	sadd.s32 s29, s6  }
0x148: {  	[hbm4b:s0+s20] =	stream.strided.scatter [tilespmem:s23], [sflag:$0x4], $0x4000, s21, s20, $0x38;
	[tilespmem:$0x16400] =	vst v63  }
0x149: {  	s0 =	sshll.u32 s28, $0x9  }
.Ltmp5:
0x14a: {  	s0 =	sand.u32 $0x3FFFFE00, s0;
	(pc) =	sbr.rel .LBB2_2-.Ltmp5, $4  }
0x14b: {  	s1 =	sadd.s32 $0x300, s0  }
0x14c: {  	[tilespmem:s15], [sflag:$0x2] =	stream.indirect.gather [hbm4b:s3+s11], $0x40, s1, s11, $0xb8;
	[tilespmem:$0x16400] =	vst v63  }
0x14d: {  	s28 =	sadd.s32 $0x1, s28;
	s0 =	sadd.s32 $0x380, s0  }
0x14e: {  	[tilespmem:s17], [sflag:$0x2] =	stream.indirect.gather [hbm4b:s3+s11], $0x40, s0, s11, $0xb8;
	[tilespmem:$0x16400] =	vst v63  }
.LBB2_9:
0x14f: {  	_ =	sfence.sel $0x180000  }
0x150: {  	[bflag:$0x0] =	sbarrier.arrive $0xFFFF  }
0x151: {  	_ =	strace $0x90000047  }
0x152: {  	s0 =	stileid.u32;
	[bflag:$0x2] =	sbarrier.arrive $0xFFFF  }
0x153: {  	p0 =	sne.s32 s0, $0x0;
	s0 =	rddreg [dreg:$0x2]  }
0x154: {  	s0 =	sadd.s32 @!p0 $0x100000, s0  }
0x155: {  	[sflag:s0] =	ssyncadd.tile.s32 @!p0 $0x1;
	_ =	shalt  }
.Lfunc_end2:
_tile_overlayer_lowered:
.L_overlay_start_2:
0x156: {  	(tag) =	ssettag $0x2  }
0x157: {  	s0 =	rddreg [dreg:$0x0];
	s2 =	stileid.u32  }
0x158: {  	s1 =	rddreg [dreg:$0x1];
	p0 =	sne.s32 s2, $0x0  }
0x159: {  	s3 =	rddreg [dreg:$0x2];
	[bflag:$0x3] =	sbarrier.arrive $0xFFFF;
	s2 =	simm.s32 @!p0 $0x1C05  }
0x15a: {  	[timem:s3], [sflag:s2] =	dma.local @!p0 [hbm:s0], s1  }
0x15b: {  	s0 =	simm.s32 @!p0 $0x5  }
0x15c: {  	_ =	swait.ge @!p0 [sflag:s0], s1  }
0x15d: {  	s1 =	ssub.s32 @!p0 $0x0, s1;
	[sflag:s0] =	ssyncset.done @!p0 $0x0  }
0x15e: {  	[sflag:s0] =	ssyncadd.s32 @!p0 s1  }
0x15f: {  	[bflag:$0x3] =	sbarrier.arrive $0xFFFF  }
0x160: {  	_ =	shalt  }

</sc_bundles>
